<compile_context>
chip_gen: v7x
topology: tpu7x:2x2x1
jax: 0.10.2.dev20260603
libtpu: 0.0.44.dev20260713+nightly
codegen_flags: <defaults>
</compile_context>

<pallas_src>
import functools

import jax
import jax.numpy as jnp
from jax import lax
from jax.experimental import pallas as pl
from jax.experimental.pallas import tpu as pltpu
from jax.experimental.pallas import tpu_sc as plsc

EMB = 128
SC_CORES = 2
SC_SUBCORES = 16
SC_WORKERS = SC_CORES * SC_SUBCORES
GATHER_CHUNK = 128

MLP_TILE = 4096


def _sc_gather_pair(users, items, user_table, item_table):
    batch = users.shape[0]
    per_worker = batch // SC_WORKERS
    chunk = min(GATHER_CHUNK, per_worker // 2)
    mesh = plsc.VectorSubcoreMesh(core_axis_name="c", subcore_axis_name="s")

    @functools.partial(
        pl.kernel,
        mesh=mesh,
        out_type=(
            jax.ShapeDtypeStruct((batch, EMB), user_table.dtype),
            jax.ShapeDtypeStruct((batch, EMB), item_table.dtype),
        ),
        scratch_types=(
            [pltpu.VMEM((chunk,), jnp.int32)] * 4
            + [pltpu.VMEM((chunk, EMB), jnp.float32)] * 4
            + [pltpu.SemaphoreType.DMA] * 8
        ),
    )
    def gather_kernel(ut_hbm, it_hbm, u_idx_hbm, i_idx_hbm, ou_hbm, oi_hbm,
                      *refs):
        idx = refs[:4]
        rows = refs[4:8]
        gsem = refs[8:12]
        wsem = refs[12:16]
        wid = lax.axis_index("s") * SC_CORES + lax.axis_index("c")
        base = wid * per_worker
        n_steps = per_worker // (2 * chunk)
        writes = [None] * 4
        for s in range(n_steps):
            off = base + s * 2 * chunk
            gathers = []
            for k in range(4):
                src = u_idx_hbm if k < 2 else i_idx_hbm
                koff = off + (k & 1) * chunk
                if s > 0:
                    writes[k].wait()
                pltpu.sync_copy(src.at[pl.ds(koff, chunk)], idx[k])
                table = ut_hbm if k < 2 else it_hbm
                gathers.append(
                    pltpu.async_copy(table.at[idx[k]], rows[k], gsem[k]))
            for k in range(4):
                dst = ou_hbm if k < 2 else oi_hbm
                koff = off + (k & 1) * chunk
                gathers[k].wait()
                writes[k] = pltpu.async_copy(
                    rows[k], dst.at[pl.ds(koff, chunk)], wsem[k])
        for k in range(4):
            writes[k].wait()

    return gather_kernel(user_table, item_table, users, items)


_CONTRACT_LAST = (((1,), (1,)), ((), ()))


def _mlp_body(u_ref, i_ref, w1u_ref, w1i_ref, w2_ref, wf_ref, o_ref):
    u = u_ref[...].astype(jnp.bfloat16)
    i = i_ref[...].astype(jnp.bfloat16)
    x = lax.dot_general(u, w1u_ref[...], _CONTRACT_LAST,
                        preferred_element_type=jnp.float32)
    x = x + lax.dot_general(i, w1i_ref[...], _CONTRACT_LAST,
                            preferred_element_type=jnp.float32)
    h1 = jnp.maximum(x.astype(jnp.bfloat16), 0)
    h2 = jnp.maximum(
        lax.dot_general(h1, w2_ref[...], _CONTRACT_LAST,
                        preferred_element_type=jnp.float32), 0.0)
    z = lax.dot_general(wf_ref[...], h2, _CONTRACT_LAST,
                        preferred_element_type=jnp.float32)
    o_ref[...] = jax.nn.sigmoid(z)


def _tc_mlp(u_emb, i_emb, w1u_t, w1i_t, w2_t, wf):
    batch = u_emb.shape[0]
    tile = min(MLP_TILE, batch)
    while batch % tile:
        tile //= 2
    grid = (batch // tile,)
    emb_spec = pl.BlockSpec((tile, EMB), lambda i: (i, 0))
    full = lambda shape: pl.BlockSpec(shape, lambda i: (0, 0))
    return pl.pallas_call(
        _mlp_body,
        grid=grid,
        in_specs=[
            emb_spec,
            emb_spec,
            full((256, EMB)),
            full((256, EMB)),
            full((EMB, 256)),
            full((1, EMB)),
        ],
        out_specs=pl.BlockSpec((1, tile), lambda i: (0, i)),
        out_shape=jax.ShapeDtypeStruct((1, batch), jnp.float32),
        compiler_params=pltpu.CompilerParams(
            dimension_semantics=("arbitrary",)),
    )(u_emb, i_emb, w1u_t, w1i_t, w2_t, wf)


XLA_CHUNK_SIZES = (16384,)


def kernel(users, items, user_table, item_table, W1, b1, W2, b2, Wf, bf):
    batch = users.shape[0]
    w1u = W1[:, :EMB].astype(jnp.bfloat16)
    w1i = W1[:, EMB:].astype(jnp.bfloat16)
    w2 = W2.astype(jnp.bfloat16)
    rows = []
    off = 0
    for csz in XLA_CHUNK_SIZES:
        uc = users[off:off + csz]
        ic = items[off:off + csz]
        off += csz
        u_emb, i_emb = _sc_gather_pair(uc, ic, user_table, item_table)
        rows.append(_tc_mlp(u_emb, i_emb, w1u, w1i, w2, Wf))
    return jnp.concatenate(rows, axis=1).reshape(batch, 1)

# --- scband reference (transcript-rebuilt; emitter-appended) ---
"""Pipeline reference for scband-neutral-cf-7567732375932 (READ-ONLY COPY).

The authoritative reference and input builder live on the scoring server;
editing this copy changes nothing except your own understanding.
"""

import jax, jax.numpy as jnp
import numpy as np

N_USERS = 100000
N_ITEMS = 100000
EMB = 128
BATCH = 16384


def setup_inputs(seed: int = 0) -> dict:
    key = jax.random.key(seed)
    ks = jax.random.split(key, 12)
    users = jax.random.randint(ks[0], (BATCH,), 0, N_USERS, dtype=jnp.int64 if jax.config.jax_enable_x64 else jnp.int32).astype(jnp.int32)
    items = jax.random.randint(ks[1], (BATCH,), 0, N_ITEMS, dtype=jnp.int32)
    user_table = jax.random.normal(ks[2], (N_USERS, EMB), dtype=jnp.float32)
    item_table = jax.random.normal(ks[3], (N_ITEMS, EMB), dtype=jnp.float32)
    # hidden: Linear(256 -> 256), ReLU, Linear(256 -> 128), ReLU
    W1 = jax.random.normal(ks[4], (256, 2 * EMB), dtype=jnp.float32) * (1.0 / np.sqrt(2 * EMB))
    b1 = jnp.zeros((256,), dtype=jnp.float32)
    W2 = jax.random.normal(ks[5], (128, 256), dtype=jnp.float32) * (1.0 / np.sqrt(256))
    b2 = jnp.zeros((128,), dtype=jnp.float32)
    Wf = jax.random.normal(ks[6], (1, 128), dtype=jnp.float32) * (1.0 / np.sqrt(128))
    bf = jnp.zeros((1,), dtype=jnp.float32)
    return {"users": users, "items": items, "user_table": user_table, "item_table": item_table,
            "W1": W1, "b1": b1, "W2": W2, "b2": b2, "Wf": Wf, "bf": bf}


def reference(users, items, user_table, item_table, W1, b1, W2, b2, Wf, bf):
    # embedding lookups (SparseCore gather)
    user_embeddings = jnp.take(user_table, users, axis=0)
    item_embeddings = jnp.take(item_table, items, axis=0)
    features = jnp.concatenate([user_embeddings, item_embeddings], axis=-1)
    # dropout is identity in eval mode
    x = features
    x = jax.nn.relu(x @ W1.T + b1)
    x = jax.nn.relu(x @ W2.T + b2)
    return jax.nn.sigmoid(x @ Wf.T + bf)

if __name__ == "__main__":
    import jax
    _d = setup_inputs()
    print(jax.jit(kernel)(*tuple(_d.values())))

</pallas_src>

<mosaic_0001>
#map = affine_map<(d0, d1) -> (0, 0)>
#map1 = affine_map<(d0, d1) -> (0)>
module attributes {stable_mosaic.version = 14 : i64} {
  func.func @gather_kernel(%arg0: i32, %arg1: i32, %arg2: memref<100000x128xf32, #tpu.memory_space<hbm>>, %arg3: memref<100000x128xf32, #tpu.memory_space<hbm>>, %arg4: memref<16384xi32, #tpu.memory_space<hbm>>, %arg5: memref<16384xi32, #tpu.memory_space<hbm>>, %arg6: memref<16384x128xf32, #tpu.memory_space<hbm>>, %arg7: memref<16384x128xf32, #tpu.memory_space<hbm>>, %arg8: memref<128xi32, #tpu.memory_space<vmem>>, %arg9: memref<128xi32, #tpu.memory_space<vmem>>, %arg10: memref<128xi32, #tpu.memory_space<vmem>>, %arg11: memref<128xi32, #tpu.memory_space<vmem>>, %arg12: memref<128x128xf32, #tpu.memory_space<vmem>>, %arg13: memref<128x128xf32, #tpu.memory_space<vmem>>, %arg14: memref<128x128xf32, #tpu.memory_space<vmem>>, %arg15: memref<128x128xf32, #tpu.memory_space<vmem>>, %arg16: memref<!tpu.dma_semaphore, #tpu.memory_space<semaphore_mem>>, %arg17: memref<!tpu.dma_semaphore, #tpu.memory_space<semaphore_mem>>, %arg18: memref<!tpu.dma_semaphore, #tpu.memory_space<semaphore_mem>>, %arg19: memref<!tpu.dma_semaphore, #tpu.memory_space<semaphore_mem>>, %arg20: memref<!tpu.dma_semaphore, #tpu.memory_space<semaphore_mem>>, %arg21: memref<!tpu.dma_semaphore, #tpu.memory_space<semaphore_mem>>, %arg22: memref<!tpu.dma_semaphore, #tpu.memory_space<semaphore_mem>>, %arg23: memref<!tpu.dma_semaphore, #tpu.memory_space<semaphore_mem>>) attributes {dimension_semantics = [#tpu.dimension_semantics<core_parallel>, #tpu.dimension_semantics<subcore_parallel>], iteration_bounds = array<i64: 2, 16>, scalar_prefetch = 0 : i64, scratch_operands = 16 : i64, tpu.core_type = #tpu.core_type<sc_vector_subcore>, window_params = [{transform_indices = #map}, {transform_indices = #map}, {transform_indices = #map1}, {transform_indices = #map1}, {transform_indices = #map}, {transform_indices = #map}]} {
    %mul3A = arith.constant 2 : i32
    %mul3A_0 = arith.muli %arg1, %mul3A : i32
    %add3A = arith.addi %mul3A_0, %arg0 : i32
    %mul3A_1 = arith.constant 512 : i32
    %mul3A_2 = arith.muli %add3A, %mul3A_1 : i32
    %add3A_3 = arith.constant 0 : i32
    %add3A_4 = arith.addi %mul3A_2, %add3A_3 : i32
    %add3A_5 = arith.constant 0 : i32
    %add3A_6 = arith.addi %add3A_4, %add3A_5 : i32
    "tpu.region"() ({
      %run_scoped3A = tpu.sem_alloc : memref<!tpu.dma_semaphore, #tpu.memory_space<semaphore_mem>>
      %dma_start3A_149 = tpu.memref_slice %arg4[%add3A_6] : memref<16384xi32, #tpu.memory_space<hbm>> -> memref<128xi32, #tpu.memory_space<hbm>>
      %dma_start3A_150 = tpu.memref_slice %arg4[%add3A_6] : memref<16384xi32, #tpu.memory_space<hbm>> -> memref<128xi32, #tpu.memory_space<hbm>>
      tpu.enqueue_dma source(%dma_start3A_150 : memref<128xi32, #tpu.memory_space<hbm>>) target(%arg8 : memref<128xi32, #tpu.memory_space<vmem>>) target_semaphore(%run_scoped3A : memref<!tpu.dma_semaphore, #tpu.memory_space<semaphore_mem>>)
      %dma_wait3A_151 = tpu.memref_slice %arg4[%add3A_6] : memref<16384xi32, #tpu.memory_space<hbm>> -> memref<128xi32, #tpu.memory_space<hbm>>
      %dma_wait3A_152 = tpu.memref_slice %arg4[%add3A_6] : memref<16384xi32, #tpu.memory_space<hbm>> -> memref<128xi32, #tpu.memory_space<hbm>>
      tpu.wait_dma2 semaphore(%run_scoped3A : memref<!tpu.dma_semaphore, #tpu.memory_space<semaphore_mem>>) src(%dma_wait3A_152 : memref<128xi32, #tpu.memory_space<hbm>>) dst(%arg8 : memref<128xi32, #tpu.memory_space<vmem>>)
      tpu.yield
    }) : () -> ()
    %dma_start3A = arith.constant 0 : i32
    %dma_start3A_7 = arith.constant 0 : i32
    %dma_start3A_8 = tpu.memref_slice %arg2[%dma_start3A, %dma_start3A_7] : memref<100000x128xf32, #tpu.memory_space<hbm>> -> memref<100000x128xf32, #tpu.memory_space<hbm>>
    tpu.enqueue_indirect_dma source(%dma_start3A_8 : memref<100000x128xf32, #tpu.memory_space<hbm>>) target(%arg12 : memref<128x128xf32, #tpu.memory_space<vmem>>) offsets(%arg8 : memref<128xi32, #tpu.memory_space<vmem>>) semaphore(%arg16 : memref<!tpu.dma_semaphore, #tpu.memory_space<semaphore_mem>>)
    %add3A_9 = arith.constant 128 : i32
    %add3A_10 = arith.addi %add3A_4, %add3A_9 : i32
    "tpu.region"() ({
      %run_scoped3A = tpu.sem_alloc : memref<!tpu.dma_semaphore, #tpu.memory_space<semaphore_mem>>
      %dma_start3A_149 = tpu.memref_slice %arg4[%add3A_10] : memref<16384xi32, #tpu.memory_space<hbm>> -> memref<128xi32, #tpu.memory_space<hbm>>
      %dma_start3A_150 = tpu.memref_slice %arg4[%add3A_10] : memref<16384xi32, #tpu.memory_space<hbm>> -> memref<128xi32, #tpu.memory_space<hbm>>
      tpu.enqueue_dma source(%dma_start3A_150 : memref<128xi32, #tpu.memory_space<hbm>>) target(%arg9 : memref<128xi32, #tpu.memory_space<vmem>>) target_semaphore(%run_scoped3A : memref<!tpu.dma_semaphore, #tpu.memory_space<semaphore_mem>>)
      %dma_wait3A_151 = tpu.memref_slice %arg4[%add3A_10] : memref<16384xi32, #tpu.memory_space<hbm>> -> memref<128xi32, #tpu.memory_space<hbm>>
      %dma_wait3A_152 = tpu.memref_slice %arg4[%add3A_10] : memref<16384xi32, #tpu.memory_space<hbm>> -> memref<128xi32, #tpu.memory_space<hbm>>
      tpu.wait_dma2 semaphore(%run_scoped3A : memref<!tpu.dma_semaphore, #tpu.memory_space<semaphore_mem>>) src(%dma_wait3A_152 : memref<128xi32, #tpu.memory_space<hbm>>) dst(%arg9 : memref<128xi32, #tpu.memory_space<vmem>>)
      tpu.yield
    }) : () -> ()
    %dma_start3A_11 = arith.constant 0 : i32
    %dma_start3A_12 = arith.constant 0 : i32
    %dma_start3A_13 = tpu.memref_slice %arg2[%dma_start3A_11, %dma_start3A_12] : memref<100000x128xf32, #tpu.memory_space<hbm>> -> memref<100000x128xf32, #tpu.memory_space<hbm>>
    tpu.enqueue_indirect_dma source(%dma_start3A_13 : memref<100000x128xf32, #tpu.memory_space<hbm>>) target(%arg13 : memref<128x128xf32, #tpu.memory_space<vmem>>) offsets(%arg9 : memref<128xi32, #tpu.memory_space<vmem>>) semaphore(%arg17 : memref<!tpu.dma_semaphore, #tpu.memory_space<semaphore_mem>>)
    %add3A_14 = arith.constant 0 : i32
    %add3A_15 = arith.addi %add3A_4, %add3A_14 : i32
    "tpu.region"() ({
      %run_scoped3A = tpu.sem_alloc : memref<!tpu.dma_semaphore, #tpu.memory_space<semaphore_mem>>
      %dma_start3A_149 = tpu.memref_slice %arg5[%add3A_15] : memref<16384xi32, #tpu.memory_space<hbm>> -> memref<128xi32, #tpu.memory_space<hbm>>
      %dma_start3A_150 = tpu.memref_slice %arg5[%add3A_15] : memref<16384xi32, #tpu.memory_space<hbm>> -> memref<128xi32, #tpu.memory_space<hbm>>
      tpu.enqueue_dma source(%dma_start3A_150 : memref<128xi32, #tpu.memory_space<hbm>>) target(%arg10 : memref<128xi32, #tpu.memory_space<vmem>>) target_semaphore(%run_scoped3A : memref<!tpu.dma_semaphore, #tpu.memory_space<semaphore_mem>>)
      %dma_wait3A_151 = tpu.memref_slice %arg5[%add3A_15] : memref<16384xi32, #tpu.memory_space<hbm>> -> memref<128xi32, #tpu.memory_space<hbm>>
      %dma_wait3A_152 = tpu.memref_slice %arg5[%add3A_15] : memref<16384xi32, #tpu.memory_space<hbm>> -> memref<128xi32, #tpu.memory_space<hbm>>
      tpu.wait_dma2 semaphore(%run_scoped3A : memref<!tpu.dma_semaphore, #tpu.memory_space<semaphore_mem>>) src(%dma_wait3A_152 : memref<128xi32, #tpu.memory_space<hbm>>) dst(%arg10 : memref<128xi32, #tpu.memory_space<vmem>>)
      tpu.yield
    }) : () -> ()
    %dma_start3A_16 = arith.constant 0 : i32
    %dma_start3A_17 = arith.constant 0 : i32
    %dma_start3A_18 = tpu.memref_slice %arg3[%dma_start3A_16, %dma_start3A_17] : memref<100000x128xf32, #tpu.memory_space<hbm>> -> memref<100000x128xf32, #tpu.memory_space<hbm>>
    tpu.enqueue_indirect_dma source(%dma_start3A_18 : memref<100000x128xf32, #tpu.memory_space<hbm>>) target(%arg14 : memref<128x128xf32, #tpu.memory_space<vmem>>) offsets(%arg10 : memref<128xi32, #tpu.memory_space<vmem>>) semaphore(%arg18 : memref<!tpu.dma_semaphore, #tpu.memory_space<semaphore_mem>>)
    %add3A_19 = arith.constant 128 : i32
    %add3A_20 = arith.addi %add3A_4, %add3A_19 : i32
    "tpu.region"() ({
      %run_scoped3A = tpu.sem_alloc : memref<!tpu.dma_semaphore, #tpu.memory_space<semaphore_mem>>
      %dma_start3A_149 = tpu.memref_slice %arg5[%add3A_20] : memref<16384xi32, #tpu.memory_space<hbm>> -> memref<128xi32, #tpu.memory_space<hbm>>
      %dma_start3A_150 = tpu.memref_slice %arg5[%add3A_20] : memref<16384xi32, #tpu.memory_space<hbm>> -> memref<128xi32, #tpu.memory_space<hbm>>
      tpu.enqueue_dma source(%dma_start3A_150 : memref<128xi32, #tpu.memory_space<hbm>>) target(%arg11 : memref<128xi32, #tpu.memory_space<vmem>>) target_semaphore(%run_scoped3A : memref<!tpu.dma_semaphore, #tpu.memory_space<semaphore_mem>>)
      %dma_wait3A_151 = tpu.memref_slice %arg5[%add3A_20] : memref<16384xi32, #tpu.memory_space<hbm>> -> memref<128xi32, #tpu.memory_space<hbm>>
      %dma_wait3A_152 = tpu.memref_slice %arg5[%add3A_20] : memref<16384xi32, #tpu.memory_space<hbm>> -> memref<128xi32, #tpu.memory_space<hbm>>
      tpu.wait_dma2 semaphore(%run_scoped3A : memref<!tpu.dma_semaphore, #tpu.memory_space<semaphore_mem>>) src(%dma_wait3A_152 : memref<128xi32, #tpu.memory_space<hbm>>) dst(%arg11 : memref<128xi32, #tpu.memory_space<vmem>>)
      tpu.yield
    }) : () -> ()
    %dma_start3A_21 = arith.constant 0 : i32
    %dma_start3A_22 = arith.constant 0 : i32
    %dma_start3A_23 = tpu.memref_slice %arg3[%dma_start3A_21, %dma_start3A_22] : memref<100000x128xf32, #tpu.memory_space<hbm>> -> memref<100000x128xf32, #tpu.memory_space<hbm>>
    tpu.enqueue_indirect_dma source(%dma_start3A_23 : memref<100000x128xf32, #tpu.memory_space<hbm>>) target(%arg15 : memref<128x128xf32, #tpu.memory_space<vmem>>) offsets(%arg11 : memref<128xi32, #tpu.memory_space<vmem>>) semaphore(%arg19 : memref<!tpu.dma_semaphore, #tpu.memory_space<semaphore_mem>>)
    %add3A_24 = arith.constant 0 : i32
    %add3A_25 = arith.addi %add3A_4, %add3A_24 : i32
    %dma_wait3A = arith.constant 0 : i32
    %dma_wait3A_26 = arith.constant 0 : i32
    %dma_wait3A_27 = tpu.memref_slice %arg2[%dma_wait3A, %dma_wait3A_26] : memref<100000x128xf32, #tpu.memory_space<hbm>> -> memref<100000x128xf32, #tpu.memory_space<hbm>>
    tpu.wait_indirect_dma semaphore(%arg16 : memref<!tpu.dma_semaphore, #tpu.memory_space<semaphore_mem>>) src(%dma_wait3A_27 : memref<100000x128xf32, #tpu.memory_space<hbm>>) dst(%arg12 : memref<128x128xf32, #tpu.memory_space<vmem>>)
    %dma_start3A_28 = arith.constant 0 : i32
    %dma_start3A_29 = tpu.memref_slice %arg6[%add3A_25, %dma_start3A_28] : memref<16384x128xf32, #tpu.memory_space<hbm>> -> memref<128x128xf32, #tpu.memory_space<hbm>>
    %dma_start3A_30 = arith.constant 0 : i32
    %dma_start3A_31 = tpu.memref_slice %arg6[%add3A_25, %dma_start3A_30] : memref<16384x128xf32, #tpu.memory_space<hbm>> -> memref<128x128xf32, #tpu.memory_space<hbm>>
    tpu.enqueue_dma source(%arg12 : memref<128x128xf32, #tpu.memory_space<vmem>>) target(%dma_start3A_31 : memref<128x128xf32, #tpu.memory_space<hbm>>) target_semaphore(%arg20 : memref<!tpu.dma_semaphore, #tpu.memory_space<semaphore_mem>>)
    %add3A_32 = arith.constant 128 : i32
    %add3A_33 = arith.addi %add3A_4, %add3A_32 : i32
    %dma_wait3A_34 = arith.constant 0 : i32
    %dma_wait3A_35 = arith.constant 0 : i32
    %dma_wait3A_36 = tpu.memref_slice %arg2[%dma_wait3A_34, %dma_wait3A_35] : memref<100000x128xf32, #tpu.memory_space<hbm>> -> memref<100000x128xf32, #tpu.memory_space<hbm>>
    tpu.wait_indirect_dma semaphore(%arg17 : memref<!tpu.dma_semaphore, #tpu.memory_space<semaphore_mem>>) src(%dma_wait3A_36 : memref<100000x128xf32, #tpu.memory_space<hbm>>) dst(%arg13 : memref<128x128xf32, #tpu.memory_space<vmem>>)
    %dma_start3A_37 = arith.constant 0 : i32
    %dma_start3A_38 = tpu.memref_slice %arg6[%add3A_33, %dma_start3A_37] : memref<16384x128xf32, #tpu.memory_space<hbm>> -> memref<128x128xf32, #tpu.memory_space<hbm>>
    %dma_start3A_39 = arith.constant 0 : i32
    %dma_start3A_40 = tpu.memref_slice %arg6[%add3A_33, %dma_start3A_39] : memref<16384x128xf32, #tpu.memory_space<hbm>> -> memref<128x128xf32, #tpu.memory_space<hbm>>
    tpu.enqueue_dma source(%arg13 : memref<128x128xf32, #tpu.memory_space<vmem>>) target(%dma_start3A_40 : memref<128x128xf32, #tpu.memory_space<hbm>>) target_semaphore(%arg21 : memref<!tpu.dma_semaphore, #tpu.memory_space<semaphore_mem>>)
    %add3A_41 = arith.constant 0 : i32
    %add3A_42 = arith.addi %add3A_4, %add3A_41 : i32
    %dma_wait3A_43 = arith.constant 0 : i32
    %dma_wait3A_44 = arith.constant 0 : i32
    %dma_wait3A_45 = tpu.memref_slice %arg3[%dma_wait3A_43, %dma_wait3A_44] : memref<100000x128xf32, #tpu.memory_space<hbm>> -> memref<100000x128xf32, #tpu.memory_space<hbm>>
    tpu.wait_indirect_dma semaphore(%arg18 : memref<!tpu.dma_semaphore, #tpu.memory_space<semaphore_mem>>) src(%dma_wait3A_45 : memref<100000x128xf32, #tpu.memory_space<hbm>>) dst(%arg14 : memref<128x128xf32, #tpu.memory_space<vmem>>)
    %dma_start3A_46 = arith.constant 0 : i32
    %dma_start3A_47 = tpu.memref_slice %arg7[%add3A_42, %dma_start3A_46] : memref<16384x128xf32, #tpu.memory_space<hbm>> -> memref<128x128xf32, #tpu.memory_space<hbm>>
    %dma_start3A_48 = arith.constant 0 : i32
    %dma_start3A_49 = tpu.memref_slice %arg7[%add3A_42, %dma_start3A_48] : memref<16384x128xf32, #tpu.memory_space<hbm>> -> memref<128x128xf32, #tpu.memory_space<hbm>>
    tpu.enqueue_dma source(%arg14 : memref<128x128xf32, #tpu.memory_space<vmem>>) target(%dma_start3A_49 : memref<128x128xf32, #tpu.memory_space<hbm>>) target_semaphore(%arg22 : memref<!tpu.dma_semaphore, #tpu.memory_space<semaphore_mem>>)
    %add3A_50 = arith.constant 128 : i32
    %add3A_51 = arith.addi %add3A_4, %add3A_50 : i32
    %dma_wait3A_52 = arith.constant 0 : i32
    %dma_wait3A_53 = arith.constant 0 : i32
    %dma_wait3A_54 = tpu.memref_slice %arg3[%dma_wait3A_52, %dma_wait3A_53] : memref<100000x128xf32, #tpu.memory_space<hbm>> -> memref<100000x128xf32, #tpu.memory_space<hbm>>
    tpu.wait_indirect_dma semaphore(%arg19 : memref<!tpu.dma_semaphore, #tpu.memory_space<semaphore_mem>>) src(%dma_wait3A_54 : memref<100000x128xf32, #tpu.memory_space<hbm>>) dst(%arg15 : memref<128x128xf32, #tpu.memory_space<vmem>>)
    %dma_start3A_55 = arith.constant 0 : i32
    %dma_start3A_56 = tpu.memref_slice %arg7[%add3A_51, %dma_start3A_55] : memref<16384x128xf32, #tpu.memory_space<hbm>> -> memref<128x128xf32, #tpu.memory_space<hbm>>
    %dma_start3A_57 = arith.constant 0 : i32
    %dma_start3A_58 = tpu.memref_slice %arg7[%add3A_51, %dma_start3A_57] : memref<16384x128xf32, #tpu.memory_space<hbm>> -> memref<128x128xf32, #tpu.memory_space<hbm>>
    tpu.enqueue_dma source(%arg15 : memref<128x128xf32, #tpu.memory_space<vmem>>) target(%dma_start3A_58 : memref<128x128xf32, #tpu.memory_space<hbm>>) target_semaphore(%arg23 : memref<!tpu.dma_semaphore, #tpu.memory_space<semaphore_mem>>)
    %add3A_59 = arith.constant 256 : i32
    %add3A_60 = arith.addi %mul3A_2, %add3A_59 : i32
    %add3A_61 = arith.constant 0 : i32
    %add3A_62 = arith.addi %add3A_60, %add3A_61 : i32
    %dma_wait3A_63 = arith.constant 0 : i32
    %dma_wait3A_64 = tpu.memref_slice %arg6[%add3A_25, %dma_wait3A_63] : memref<16384x128xf32, #tpu.memory_space<hbm>> -> memref<128x128xf32, #tpu.memory_space<hbm>>
    %dma_wait3A_65 = arith.constant 0 : i32
    %dma_wait3A_66 = tpu.memref_slice %arg6[%add3A_25, %dma_wait3A_65] : memref<16384x128xf32, #tpu.memory_space<hbm>> -> memref<128x128xf32, #tpu.memory_space<hbm>>
    tpu.wait_dma2 semaphore(%arg20 : memref<!tpu.dma_semaphore, #tpu.memory_space<semaphore_mem>>) src(%arg12 : memref<128x128xf32, #tpu.memory_space<vmem>>) dst(%dma_wait3A_66 : memref<128x128xf32, #tpu.memory_space<hbm>>)
    "tpu.region"() ({
      %run_scoped3A = tpu.sem_alloc : memref<!tpu.dma_semaphore, #tpu.memory_space<semaphore_mem>>
      %dma_start3A_149 = tpu.memref_slice %arg4[%add3A_62] : memref<16384xi32, #tpu.memory_space<hbm>> -> memref<128xi32, #tpu.memory_space<hbm>>
      %dma_start3A_150 = tpu.memref_slice %arg4[%add3A_62] : memref<16384xi32, #tpu.memory_space<hbm>> -> memref<128xi32, #tpu.memory_space<hbm>>
      tpu.enqueue_dma source(%dma_start3A_150 : memref<128xi32, #tpu.memory_space<hbm>>) target(%arg8 : memref<128xi32, #tpu.memory_space<vmem>>) target_semaphore(%run_scoped3A : memref<!tpu.dma_semaphore, #tpu.memory_space<semaphore_mem>>)
      %dma_wait3A_151 = tpu.memref_slice %arg4[%add3A_62] : memref<16384xi32, #tpu.memory_space<hbm>> -> memref<128xi32, #tpu.memory_space<hbm>>
      %dma_wait3A_152 = tpu.memref_slice %arg4[%add3A_62] : memref<16384xi32, #tpu.memory_space<hbm>> -> memref<128xi32, #tpu.memory_space<hbm>>
      tpu.wait_dma2 semaphore(%run_scoped3A : memref<!tpu.dma_semaphore, #tpu.memory_space<semaphore_mem>>) src(%dma_wait3A_152 : memref<128xi32, #tpu.memory_space<hbm>>) dst(%arg8 : memref<128xi32, #tpu.memory_space<vmem>>)
      tpu.yield
    }) : () -> ()
    %dma_start3A_67 = arith.constant 0 : i32
    %dma_start3A_68 = arith.constant 0 : i32
    %dma_start3A_69 = tpu.memref_slice %arg2[%dma_start3A_67, %dma_start3A_68] : memref<100000x128xf32, #tpu.memory_space<hbm>> -> memref<100000x128xf32, #tpu.memory_space<hbm>>
    tpu.enqueue_indirect_dma source(%dma_start3A_69 : memref<100000x128xf32, #tpu.memory_space<hbm>>) target(%arg12 : memref<128x128xf32, #tpu.memory_space<vmem>>) offsets(%arg8 : memref<128xi32, #tpu.memory_space<vmem>>) semaphore(%arg16 : memref<!tpu.dma_semaphore, #tpu.memory_space<semaphore_mem>>)
    %add3A_70 = arith.constant 128 : i32
    %add3A_71 = arith.addi %add3A_60, %add3A_70 : i32
    %dma_wait3A_72 = arith.constant 0 : i32
    %dma_wait3A_73 = tpu.memref_slice %arg6[%add3A_33, %dma_wait3A_72] : memref<16384x128xf32, #tpu.memory_space<hbm>> -> memref<128x128xf32, #tpu.memory_space<hbm>>
    %dma_wait3A_74 = arith.constant 0 : i32
    %dma_wait3A_75 = tpu.memref_slice %arg6[%add3A_33, %dma_wait3A_74] : memref<16384x128xf32, #tpu.memory_space<hbm>> -> memref<128x128xf32, #tpu.memory_space<hbm>>
    tpu.wait_dma2 semaphore(%arg21 : memref<!tpu.dma_semaphore, #tpu.memory_space<semaphore_mem>>) src(%arg13 : memref<128x128xf32, #tpu.memory_space<vmem>>) dst(%dma_wait3A_75 : memref<128x128xf32, #tpu.memory_space<hbm>>)
    "tpu.region"() ({
      %run_scoped3A = tpu.sem_alloc : memref<!tpu.dma_semaphore, #tpu.memory_space<semaphore_mem>>
      %dma_start3A_149 = tpu.memref_slice %arg4[%add3A_71] : memref<16384xi32, #tpu.memory_space<hbm>> -> memref<128xi32, #tpu.memory_space<hbm>>
      %dma_start3A_150 = tpu.memref_slice %arg4[%add3A_71] : memref<16384xi32, #tpu.memory_space<hbm>> -> memref<128xi32, #tpu.memory_space<hbm>>
      tpu.enqueue_dma source(%dma_start3A_150 : memref<128xi32, #tpu.memory_space<hbm>>) target(%arg9 : memref<128xi32, #tpu.memory_space<vmem>>) target_semaphore(%run_scoped3A : memref<!tpu.dma_semaphore, #tpu.memory_space<semaphore_mem>>)
      %dma_wait3A_151 = tpu.memref_slice %arg4[%add3A_71] : memref<16384xi32, #tpu.memory_space<hbm>> -> memref<128xi32, #tpu.memory_space<hbm>>
      %dma_wait3A_152 = tpu.memref_slice %arg4[%add3A_71] : memref<16384xi32, #tpu.memory_space<hbm>> -> memref<128xi32, #tpu.memory_space<hbm>>
      tpu.wait_dma2 semaphore(%run_scoped3A : memref<!tpu.dma_semaphore, #tpu.memory_space<semaphore_mem>>) src(%dma_wait3A_152 : memref<128xi32, #tpu.memory_space<hbm>>) dst(%arg9 : memref<128xi32, #tpu.memory_space<vmem>>)
      tpu.yield
    }) : () -> ()
    %dma_start3A_76 = arith.constant 0 : i32
    %dma_start3A_77 = arith.constant 0 : i32
    %dma_start3A_78 = tpu.memref_slice %arg2[%dma_start3A_76, %dma_start3A_77] : memref<100000x128xf32, #tpu.memory_space<hbm>> -> memref<100000x128xf32, #tpu.memory_space<hbm>>
    tpu.enqueue_indirect_dma source(%dma_start3A_78 : memref<100000x128xf32, #tpu.memory_space<hbm>>) target(%arg13 : memref<128x128xf32, #tpu.memory_space<vmem>>) offsets(%arg9 : memref<128xi32, #tpu.memory_space<vmem>>) semaphore(%arg17 : memref<!tpu.dma_semaphore, #tpu.memory_space<semaphore_mem>>)
    %add3A_79 = arith.constant 0 : i32
    %add3A_80 = arith.addi %add3A_60, %add3A_79 : i32
    %dma_wait3A_81 = arith.constant 0 : i32
    %dma_wait3A_82 = tpu.memref_slice %arg7[%add3A_42, %dma_wait3A_81] : memref<16384x128xf32, #tpu.memory_space<hbm>> -> memref<128x128xf32, #tpu.memory_space<hbm>>
    %dma_wait3A_83 = arith.constant 0 : i32
    %dma_wait3A_84 = tpu.memref_slice %arg7[%add3A_42, %dma_wait3A_83] : memref<16384x128xf32, #tpu.memory_space<hbm>> -> memref<128x128xf32, #tpu.memory_space<hbm>>
    tpu.wait_dma2 semaphore(%arg22 : memref<!tpu.dma_semaphore, #tpu.memory_space<semaphore_mem>>) src(%arg14 : memref<128x128xf32, #tpu.memory_space<vmem>>) dst(%dma_wait3A_84 : memref<128x128xf32, #tpu.memory_space<hbm>>)
    "tpu.region"() ({
      %run_scoped3A = tpu.sem_alloc : memref<!tpu.dma_semaphore, #tpu.memory_space<semaphore_mem>>
      %dma_start3A_149 = tpu.memref_slice %arg5[%add3A_80] : memref<16384xi32, #tpu.memory_space<hbm>> -> memref<128xi32, #tpu.memory_space<hbm>>
      %dma_start3A_150 = tpu.memref_slice %arg5[%add3A_80] : memref<16384xi32, #tpu.memory_space<hbm>> -> memref<128xi32, #tpu.memory_space<hbm>>
      tpu.enqueue_dma source(%dma_start3A_150 : memref<128xi32, #tpu.memory_space<hbm>>) target(%arg10 : memref<128xi32, #tpu.memory_space<vmem>>) target_semaphore(%run_scoped3A : memref<!tpu.dma_semaphore, #tpu.memory_space<semaphore_mem>>)
      %dma_wait3A_151 = tpu.memref_slice %arg5[%add3A_80] : memref<16384xi32, #tpu.memory_space<hbm>> -> memref<128xi32, #tpu.memory_space<hbm>>
      %dma_wait3A_152 = tpu.memref_slice %arg5[%add3A_80] : memref<16384xi32, #tpu.memory_space<hbm>> -> memref<128xi32, #tpu.memory_space<hbm>>
      tpu.wait_dma2 semaphore(%run_scoped3A : memref<!tpu.dma_semaphore, #tpu.memory_space<semaphore_mem>>) src(%dma_wait3A_152 : memref<128xi32, #tpu.memory_space<hbm>>) dst(%arg10 : memref<128xi32, #tpu.memory_space<vmem>>)
      tpu.yield
    }) : () -> ()
    %dma_start3A_85 = arith.constant 0 : i32
    %dma_start3A_86 = arith.constant 0 : i32
    %dma_start3A_87 = tpu.memref_slice %arg3[%dma_start3A_85, %dma_start3A_86] : memref<100000x128xf32, #tpu.memory_space<hbm>> -> memref<100000x128xf32, #tpu.memory_space<hbm>>
    tpu.enqueue_indirect_dma source(%dma_start3A_87 : memref<100000x128xf32, #tpu.memory_space<hbm>>) target(%arg14 : memref<128x128xf32, #tpu.memory_space<vmem>>) offsets(%arg10 : memref<128xi32, #tpu.memory_space<vmem>>) semaphore(%arg18 : memref<!tpu.dma_semaphore, #tpu.memory_space<semaphore_mem>>)
    %add3A_88 = arith.constant 128 : i32
    %add3A_89 = arith.addi %add3A_60, %add3A_88 : i32
    %dma_wait3A_90 = arith.constant 0 : i32
    %dma_wait3A_91 = tpu.memref_slice %arg7[%add3A_51, %dma_wait3A_90] : memref<16384x128xf32, #tpu.memory_space<hbm>> -> memref<128x128xf32, #tpu.memory_space<hbm>>
    %dma_wait3A_92 = arith.constant 0 : i32
    %dma_wait3A_93 = tpu.memref_slice %arg7[%add3A_51, %dma_wait3A_92] : memref<16384x128xf32, #tpu.memory_space<hbm>> -> memref<128x128xf32, #tpu.memory_space<hbm>>
    tpu.wait_dma2 semaphore(%arg23 : memref<!tpu.dma_semaphore, #tpu.memory_space<semaphore_mem>>) src(%arg15 : memref<128x128xf32, #tpu.memory_space<vmem>>) dst(%dma_wait3A_93 : memref<128x128xf32, #tpu.memory_space<hbm>>)
    "tpu.region"() ({
      %run_scoped3A = tpu.sem_alloc : memref<!tpu.dma_semaphore, #tpu.memory_space<semaphore_mem>>
      %dma_start3A_149 = tpu.memref_slice %arg5[%add3A_89] : memref<16384xi32, #tpu.memory_space<hbm>> -> memref<128xi32, #tpu.memory_space<hbm>>
      %dma_start3A_150 = tpu.memref_slice %arg5[%add3A_89] : memref<16384xi32, #tpu.memory_space<hbm>> -> memref<128xi32, #tpu.memory_space<hbm>>
      tpu.enqueue_dma source(%dma_start3A_150 : memref<128xi32, #tpu.memory_space<hbm>>) target(%arg11 : memref<128xi32, #tpu.memory_space<vmem>>) target_semaphore(%run_scoped3A : memref<!tpu.dma_semaphore, #tpu.memory_space<semaphore_mem>>)
      %dma_wait3A_151 = tpu.memref_slice %arg5[%add3A_89] : memref<16384xi32, #tpu.memory_space<hbm>> -> memref<128xi32, #tpu.memory_space<hbm>>
      %dma_wait3A_152 = tpu.memref_slice %arg5[%add3A_89] : memref<16384xi32, #tpu.memory_space<hbm>> -> memref<128xi32, #tpu.memory_space<hbm>>
      tpu.wait_dma2 semaphore(%run_scoped3A : memref<!tpu.dma_semaphore, #tpu.memory_space<semaphore_mem>>) src(%dma_wait3A_152 : memref<128xi32, #tpu.memory_space<hbm>>) dst(%arg11 : memref<128xi32, #tpu.memory_space<vmem>>)
      tpu.yield
    }) : () -> ()
    %dma_start3A_94 = arith.constant 0 : i32
    %dma_start3A_95 = arith.constant 0 : i32
    %dma_start3A_96 = tpu.memref_slice %arg3[%dma_start3A_94, %dma_start3A_95] : memref<100000x128xf32, #tpu.memory_space<hbm>> -> memref<100000x128xf32, #tpu.memory_space<hbm>>
    tpu.enqueue_indirect_dma source(%dma_start3A_96 : memref<100000x128xf32, #tpu.memory_space<hbm>>) target(%arg15 : memref<128x128xf32, #tpu.memory_space<vmem>>) offsets(%arg11 : memref<128xi32, #tpu.memory_space<vmem>>) semaphore(%arg19 : memref<!tpu.dma_semaphore, #tpu.memory_space<semaphore_mem>>)
    %add3A_97 = arith.constant 0 : i32
    %add3A_98 = arith.addi %add3A_60, %add3A_97 : i32
    %dma_wait3A_99 = arith.constant 0 : i32
    %dma_wait3A_100 = arith.constant 0 : i32
    %dma_wait3A_101 = tpu.memref_slice %arg2[%dma_wait3A_99, %dma_wait3A_100] : memref<100000x128xf32, #tpu.memory_space<hbm>> -> memref<100000x128xf32, #tpu.memory_space<hbm>>
    tpu.wait_indirect_dma semaphore(%arg16 : memref<!tpu.dma_semaphore, #tpu.memory_space<semaphore_mem>>) src(%dma_wait3A_101 : memref<100000x128xf32, #tpu.memory_space<hbm>>) dst(%arg12 : memref<128x128xf32, #tpu.memory_space<vmem>>)
    %dma_start3A_102 = arith.constant 0 : i32
    %dma_start3A_103 = tpu.memref_slice %arg6[%add3A_98, %dma_start3A_102] : memref<16384x128xf32, #tpu.memory_space<hbm>> -> memref<128x128xf32, #tpu.memory_space<hbm>>
    %dma_start3A_104 = arith.constant 0 : i32
    %dma_start3A_105 = tpu.memref_slice %arg6[%add3A_98, %dma_start3A_104] : memref<16384x128xf32, #tpu.memory_space<hbm>> -> memref<128x128xf32, #tpu.memory_space<hbm>>
    tpu.enqueue_dma source(%arg12 : memref<128x128xf32, #tpu.memory_space<vmem>>) target(%dma_start3A_105 : memref<128x128xf32, #tpu.memory_space<hbm>>) target_semaphore(%arg20 : memref<!tpu.dma_semaphore, #tpu.memory_space<semaphore_mem>>)
    %add3A_106 = arith.constant 128 : i32
    %add3A_107 = arith.addi %add3A_60, %add3A_106 : i32
    %dma_wait3A_108 = arith.constant 0 : i32
    %dma_wait3A_109 = arith.constant 0 : i32
    %dma_wait3A_110 = tpu.memref_slice %arg2[%dma_wait3A_108, %dma_wait3A_109] : memref<100000x128xf32, #tpu.memory_space<hbm>> -> memref<100000x128xf32, #tpu.memory_space<hbm>>
    tpu.wait_indirect_dma semaphore(%arg17 : memref<!tpu.dma_semaphore, #tpu.memory_space<semaphore_mem>>) src(%dma_wait3A_110 : memref<100000x128xf32, #tpu.memory_space<hbm>>) dst(%arg13 : memref<128x128xf32, #tpu.memory_space<vmem>>)
    %dma_start3A_111 = arith.constant 0 : i32
    %dma_start3A_112 = tpu.memref_slice %arg6[%add3A_107, %dma_start3A_111] : memref<16384x128xf32, #tpu.memory_space<hbm>> -> memref<128x128xf32, #tpu.memory_space<hbm>>
    %dma_start3A_113 = arith.constant 0 : i32
    %dma_start3A_114 = tpu.memref_slice %arg6[%add3A_107, %dma_start3A_113] : memref<16384x128xf32, #tpu.memory_space<hbm>> -> memref<128x128xf32, #tpu.memory_space<hbm>>
    tpu.enqueue_dma source(%arg13 : memref<128x128xf32, #tpu.memory_space<vmem>>) target(%dma_start3A_114 : memref<128x128xf32, #tpu.memory_space<hbm>>) target_semaphore(%arg21 : memref<!tpu.dma_semaphore, #tpu.memory_space<semaphore_mem>>)
    %add3A_115 = arith.constant 0 : i32
    %add3A_116 = arith.addi %add3A_60, %add3A_115 : i32
    %dma_wait3A_117 = arith.constant 0 : i32
    %dma_wait3A_118 = arith.constant 0 : i32
    %dma_wait3A_119 = tpu.memref_slice %arg3[%dma_wait3A_117, %dma_wait3A_118] : memref<100000x128xf32, #tpu.memory_space<hbm>> -> memref<100000x128xf32, #tpu.memory_space<hbm>>
    tpu.wait_indirect_dma semaphore(%arg18 : memref<!tpu.dma_semaphore, #tpu.memory_space<semaphore_mem>>) src(%dma_wait3A_119 : memref<100000x128xf32, #tpu.memory_space<hbm>>) dst(%arg14 : memref<128x128xf32, #tpu.memory_space<vmem>>)
    %dma_start3A_120 = arith.constant 0 : i32
    %dma_start3A_121 = tpu.memref_slice %arg7[%add3A_116, %dma_start3A_120] : memref<16384x128xf32, #tpu.memory_space<hbm>> -> memref<128x128xf32, #tpu.memory_space<hbm>>
    %dma_start3A_122 = arith.constant 0 : i32
    %dma_start3A_123 = tpu.memref_slice %arg7[%add3A_116, %dma_start3A_122] : memref<16384x128xf32, #tpu.memory_space<hbm>> -> memref<128x128xf32, #tpu.memory_space<hbm>>
    tpu.enqueue_dma source(%arg14 : memref<128x128xf32, #tpu.memory_space<vmem>>) target(%dma_start3A_123 : memref<128x128xf32, #tpu.memory_space<hbm>>) target_semaphore(%arg22 : memref<!tpu.dma_semaphore, #tpu.memory_space<semaphore_mem>>)
    %add3A_124 = arith.constant 128 : i32
    %add3A_125 = arith.addi %add3A_60, %add3A_124 : i32
    %dma_wait3A_126 = arith.constant 0 : i32
    %dma_wait3A_127 = arith.constant 0 : i32
    %dma_wait3A_128 = tpu.memref_slice %arg3[%dma_wait3A_126, %dma_wait3A_127] : memref<100000x128xf32, #tpu.memory_space<hbm>> -> memref<100000x128xf32, #tpu.memory_space<hbm>>
    tpu.wait_indirect_dma semaphore(%arg19 : memref<!tpu.dma_semaphore, #tpu.memory_space<semaphore_mem>>) src(%dma_wait3A_128 : memref<100000x128xf32, #tpu.memory_space<hbm>>) dst(%arg15 : memref<128x128xf32, #tpu.memory_space<vmem>>)
    %dma_start3A_129 = arith.constant 0 : i32
    %dma_start3A_130 = tpu.memref_slice %arg7[%add3A_125, %dma_start3A_129] : memref<16384x128xf32, #tpu.memory_space<hbm>> -> memref<128x128xf32, #tpu.memory_space<hbm>>
    %dma_start3A_131 = arith.constant 0 : i32
    %dma_start3A_132 = tpu.memref_slice %arg7[%add3A_125, %dma_start3A_131] : memref<16384x128xf32, #tpu.memory_space<hbm>> -> memref<128x128xf32, #tpu.memory_space<hbm>>
    tpu.enqueue_dma source(%arg15 : memref<128x128xf32, #tpu.memory_space<vmem>>) target(%dma_start3A_132 : memref<128x128xf32, #tpu.memory_space<hbm>>) target_semaphore(%arg23 : memref<!tpu.dma_semaphore, #tpu.memory_space<semaphore_mem>>)
    %dma_wait3A_133 = arith.constant 0 : i32
    %dma_wait3A_134 = tpu.memref_slice %arg6[%add3A_98, %dma_wait3A_133] : memref<16384x128xf32, #tpu.memory_space<hbm>> -> memref<128x128xf32, #tpu.memory_space<hbm>>
    %dma_wait3A_135 = arith.constant 0 : i32
    %dma_wait3A_136 = tpu.memref_slice %arg6[%add3A_98, %dma_wait3A_135] : memref<16384x128xf32, #tpu.memory_space<hbm>> -> memref<128x128xf32, #tpu.memory_space<hbm>>
    tpu.wait_dma2 semaphore(%arg20 : memref<!tpu.dma_semaphore, #tpu.memory_space<semaphore_mem>>) src(%arg12 : memref<128x128xf32, #tpu.memory_space<vmem>>) dst(%dma_wait3A_136 : memref<128x128xf32, #tpu.memory_space<hbm>>)
    %dma_wait3A_137 = arith.constant 0 : i32
    %dma_wait3A_138 = tpu.memref_slice %arg6[%add3A_107, %dma_wait3A_137] : memref<16384x128xf32, #tpu.memory_space<hbm>> -> memref<128x128xf32, #tpu.memory_space<hbm>>
    %dma_wait3A_139 = arith.constant 0 : i32
    %dma_wait3A_140 = tpu.memref_slice %arg6[%add3A_107, %dma_wait3A_139] : memref<16384x128xf32, #tpu.memory_space<hbm>> -> memref<128x128xf32, #tpu.memory_space<hbm>>
    tpu.wait_dma2 semaphore(%arg21 : memref<!tpu.dma_semaphore, #tpu.memory_space<semaphore_mem>>) src(%arg13 : memref<128x128xf32, #tpu.memory_space<vmem>>) dst(%dma_wait3A_140 : memref<128x128xf32, #tpu.memory_space<hbm>>)
    %dma_wait3A_141 = arith.constant 0 : i32
    %dma_wait3A_142 = tpu.memref_slice %arg7[%add3A_116, %dma_wait3A_141] : memref<16384x128xf32, #tpu.memory_space<hbm>> -> memref<128x128xf32, #tpu.memory_space<hbm>>
    %dma_wait3A_143 = arith.constant 0 : i32
    %dma_wait3A_144 = tpu.memref_slice %arg7[%add3A_116, %dma_wait3A_143] : memref<16384x128xf32, #tpu.memory_space<hbm>> -> memref<128x128xf32, #tpu.memory_space<hbm>>
    tpu.wait_dma2 semaphore(%arg22 : memref<!tpu.dma_semaphore, #tpu.memory_space<semaphore_mem>>) src(%arg14 : memref<128x128xf32, #tpu.memory_space<vmem>>) dst(%dma_wait3A_144 : memref<128x128xf32, #tpu.memory_space<hbm>>)
    %dma_wait3A_145 = arith.constant 0 : i32
    %dma_wait3A_146 = tpu.memref_slice %arg7[%add3A_125, %dma_wait3A_145] : memref<16384x128xf32, #tpu.memory_space<hbm>> -> memref<128x128xf32, #tpu.memory_space<hbm>>
    %dma_wait3A_147 = arith.constant 0 : i32
    %dma_wait3A_148 = tpu.memref_slice %arg7[%add3A_125, %dma_wait3A_147] : memref<16384x128xf32, #tpu.memory_space<hbm>> -> memref<128x128xf32, #tpu.memory_space<hbm>>
    tpu.wait_dma2 semaphore(%arg23 : memref<!tpu.dma_semaphore, #tpu.memory_space<semaphore_mem>>) src(%arg15 : memref<128x128xf32, #tpu.memory_space<vmem>>) dst(%dma_wait3A_148 : memref<128x128xf32, #tpu.memory_space<hbm>>)
    return
  }
}

module attributes {stable_mosaic.version = 14 : i64} {
  func.func @_mlp_body(%arg0: i32, %arg1: memref<4096x128xf32, #tpu.memory_space<vmem>>, %arg2: memref<4096x128xf32, #tpu.memory_space<vmem>>, %arg3: memref<256x128xbf16, #tpu.memory_space<vmem>>, %arg4: memref<256x128xbf16, #tpu.memory_space<vmem>>, %arg5: memref<128x256xbf16, #tpu.memory_space<vmem>>, %arg6: memref<1x128xf32, #tpu.memory_space<vmem>>, %arg7: memref<1x4096xf32, #tpu.memory_space<vmem>>) attributes {dimension_semantics = [#tpu.dimension_semantics<arbitrary>], iteration_bounds = array<i64: 4>, scalar_prefetch = 0 : i64, scratch_operands = 0 : i64, tpu.core_type = #tpu.core_type<tc>, window_params = [{transform_indices = @transform_0, window_bounds = array<i64: 4096, 128>}, {transform_indices = @transform_1, window_bounds = array<i64: 4096, 128>}, {pipeline_mode = #tpu.pipeline_mode<synchronous>, transform_indices = @transform_2, window_bounds = array<i64: 256, 128>}, {pipeline_mode = #tpu.pipeline_mode<synchronous>, transform_indices = @transform_3, window_bounds = array<i64: 256, 128>}, {pipeline_mode = #tpu.pipeline_mode<synchronous>, transform_indices = @transform_4, window_bounds = array<i64: 128, 256>}, {pipeline_mode = #tpu.pipeline_mode<synchronous>, transform_indices = @transform_5, window_bounds = array<i64: 1, 128>}, {transform_indices = @transform_6, window_bounds = array<i64: 1, 4096>}]} {
    %get3A = arith.constant 0 : index
    %get3A_0 = arith.constant 0 : index
    %get3A_1 = vector.load %arg1[%get3A, %get3A_0] : memref<4096x128xf32, #tpu.memory_space<vmem>>, vector<4096x128xf32>
    %convert_element_type3A = arith.truncf %get3A_1 : vector<4096x128xf32> to vector<4096x128xbf16>
    %get3A_2 = arith.constant 0 : index
    %get3A_3 = arith.constant 0 : index
    %get3A_4 = vector.load %arg2[%get3A_2, %get3A_3] : memref<4096x128xf32, #tpu.memory_space<vmem>>, vector<4096x128xf32>
    %convert_element_type3A_5 = arith.truncf %get3A_4 : vector<4096x128xf32> to vector<4096x128xbf16>
    %get3A_6 = arith.constant 0 : index
    %get3A_7 = arith.constant 0 : index
    %get3A_8 = vector.load %arg3[%get3A_6, %get3A_7] : memref<256x128xbf16, #tpu.memory_space<vmem>>, vector<256x128xbf16>
    %dot_general3A = arith.constant dense<0.000000e+00> : vector<4096x256xf32>
    %dot_general3A_9 = tpu.matmul %convert_element_type3A, %get3A_8, %dot_general3A {dimension_numbers = #tpu.dot_dimension_numbers<[1], [1], [0], [0], [0, 0, 1, 0], [], []>, transpose_lhs_hint = false} : vector<4096x128xbf16>, vector<256x128xbf16>, vector<4096x256xf32> -> vector<4096x256xf32>
    %get3A_10 = arith.constant 0 : index
    %get3A_11 = arith.constant 0 : index
    %get3A_12 = vector.load %arg4[%get3A_10, %get3A_11] : memref<256x128xbf16, #tpu.memory_space<vmem>>, vector<256x128xbf16>
    %dot_general3A_13 = arith.constant dense<0.000000e+00> : vector<4096x256xf32>
    %dot_general3A_14 = tpu.matmul %convert_element_type3A_5, %get3A_12, %dot_general3A_13 {dimension_numbers = #tpu.dot_dimension_numbers<[1], [1], [0], [0], [0, 0, 1, 0], [], []>, transpose_lhs_hint = false} : vector<4096x128xbf16>, vector<256x128xbf16>, vector<4096x256xf32> -> vector<4096x256xf32>
    %add3A = arith.addf %dot_general3A_9, %dot_general3A_14 : vector<4096x256xf32>
    %convert_element_type3A_15 = arith.truncf %add3A : vector<4096x256xf32> to vector<4096x256xbf16>
    %max3A = arith.constant 0.000000e+00 : bf16
    %max3A_16 = vector.broadcast %max3A : bf16 to vector<4096x256xbf16>
    %max3A_17 = arith.maximumf %convert_element_type3A_15, %max3A_16 : vector<4096x256xbf16>
    %get3A_18 = arith.constant 0 : index
    %get3A_19 = arith.constant 0 : index
    %get3A_20 = vector.load %arg5[%get3A_18, %get3A_19] : memref<128x256xbf16, #tpu.memory_space<vmem>>, vector<128x256xbf16>
    %dot_general3A_21 = arith.constant dense<0.000000e+00> : vector<4096x128xf32>
    %dot_general3A_22 = tpu.matmul %max3A_17, %get3A_20, %dot_general3A_21 {dimension_numbers = #tpu.dot_dimension_numbers<[1], [1], [0], [0], [0, 0, 1, 0], [], []>, transpose_lhs_hint = false} : vector<4096x256xbf16>, vector<128x256xbf16>, vector<4096x128xf32> -> vector<4096x128xf32>
    %max3A_23 = arith.constant 0.000000e+00 : f32
    %max3A_24 = vector.broadcast %max3A_23 : f32 to vector<4096x128xf32>
    %max3A_25 = arith.maximumf %dot_general3A_22, %max3A_24 : vector<4096x128xf32>
    %get3A_26 = arith.constant 0 : index
    %get3A_27 = arith.constant 0 : index
    %get3A_28 = vector.load %arg6[%get3A_26, %get3A_27] : memref<1x128xf32, #tpu.memory_space<vmem>>, vector<1x128xf32>
    %dot_general3A_29 = arith.constant dense<0.000000e+00> : vector<1x4096xf32>
    %dot_general3A_30 = tpu.matmul %get3A_28, %max3A_25, %dot_general3A_29 {dimension_numbers = #tpu.dot_dimension_numbers<[1], [1], [0], [0], [0, 0, 1, 0], [], []>, transpose_lhs_hint = false} : vector<1x128xf32>, vector<4096x128xf32>, vector<1x4096xf32> -> vector<1x4096xf32>
    %logistic3A = arith.negf %dot_general3A_30 : vector<1x4096xf32>
    %logistic3A_31 = math.exp %logistic3A : vector<1x4096xf32>
    %logistic3A_32 = arith.constant 1.000000e+00 : f32
    %logistic3A_33 = vector.broadcast %logistic3A_32 : f32 to vector<1x4096xf32>
    %logistic3A_34 = arith.addf %logistic3A_33, %logistic3A_31 : vector<1x4096xf32>
    %logistic3A_35 = arith.divf %logistic3A_33, %logistic3A_34 : vector<1x4096xf32>
    %swap3A = arith.constant 0 : index
    %swap3A_36 = arith.constant 0 : index
    %swap3A_37 = vector.load %arg7[%swap3A, %swap3A_36] : memref<1x4096xf32, #tpu.memory_space<vmem>>, vector<1x4096xf32>
    tpu.vector_store %arg7[%swap3A, %swap3A_36], %logistic3A_35 {strides = array<i32>} : memref<1x4096xf32, #tpu.memory_space<vmem>>, vector<1x4096xf32>,
    return
  }
  func.func @transform_0(%arg0: i32) -> (i32, i32) {
    %c0_i32 = arith.constant 0 : i32
    %c0_i32_0 = arith.constant 0 : i32
    return %arg0, %c0_i32 : i32, i32
  }
  func.func @transform_1(%arg0: i32) -> (i32, i32) {
    %c0_i32 = arith.constant 0 : i32
    %c0_i32_0 = arith.constant 0 : i32
    return %arg0, %c0_i32 : i32, i32
  }
  func.func @transform_2(%arg0: i32) -> (i32, i32) {
    %c0_i32 = arith.constant 0 : i32
    %c0_i32_0 = arith.constant 0 : i32
    %c0_i32_1 = arith.constant 0 : i32
    return %c0_i32, %c0_i32_0 : i32, i32
  }
  func.func @transform_3(%arg0: i32) -> (i32, i32) {
    %c0_i32 = arith.constant 0 : i32
    %c0_i32_0 = arith.constant 0 : i32
    %c0_i32_1 = arith.constant 0 : i32
    return %c0_i32, %c0_i32_0 : i32, i32
  }
  func.func @transform_4(%arg0: i32) -> (i32, i32) {
    %c0_i32 = arith.constant 0 : i32
    %c0_i32_0 = arith.constant 0 : i32
    %c0_i32_1 = arith.constant 0 : i32
    return %c0_i32, %c0_i32_0 : i32, i32
  }
  func.func @transform_5(%arg0: i32) -> (i32, i32) {
    %c0_i32 = arith.constant 0 : i32
    %c0_i32_0 = arith.constant 0 : i32
    %c0_i32_1 = arith.constant 0 : i32
    return %c0_i32, %c0_i32_0 : i32, i32
  }
  func.func @transform_6(%arg0: i32) -> (i32, i32) {
    %c0_i32 = arith.constant 0 : i32
    %c0_i32_0 = arith.constant 0 : i32
    return %c0_i32, %arg0 : i32, i32
  }
}

</mosaic_0001>

<sc_bundles>
// kernel: kernel.4.cloned.1.call-start
scs
__scs_entry_jumppad:
0x0: {  	(pc) =	sbr.rel $0x88, $3  }
0x1: {  	(tag) =	ssettag $0x0;
	lr =	simm.s32 $0x1  }
0x2: {  	[smem:$0x3F9A] =	sst lr;
	_ =	strace $0xD0000000  }
0x3: {  	_ = 	snop  }
0x4: {  	_ = 	snop  }
0x5: {  	_ = 	snop  }
0x6: {  	_ = 	snop  }
0x7: {  	_ = 	snop  }
__scs_overlays_trampoline_lowered:
0x8: {  	[smem:$0x3FA9] =	sst s0  }
0x9: {  	[smem:$0x3FAA] =	sst s1  }
0xa: {  	[smem:$0x3FAB] =	sst s2  }
0xb: {  	[smem:$0x3FAC] =	sst s3  }
0xc: {  	[smem:$0x3FAD] =	sst s4  }
0xd: {  	[smem:$0x3FAE] =	sst s5  }
0xe: {  	[smem:$0x3FAF] =	sst s6  }
0xf: {  	[smem:$0x3FB0] =	sst s7  }
0x10: {  	[smem:$0x3FB1] =	sst s8  }
0x11: {  	[smem:$0x3FB2] =	sst s9;
	s0 =	simm.s32 @!p0 $0x0  }
0x12: {  	s1 =	sld [smem:$0x3F98];
	s0 =	simm.s32 @p0 $0x1  }
0x13: {  	[smem:$0x3FB3] =	sst s0;
	s0 =	simm.s32 @!p1 $0x0  }
0x14: {  	s2 =	sld [smem:$0x3F97];
	s0 =	simm.s32 @p1 $0x1  }
0x15: {  	[smem:$0x3FB4] =	sst s0;
	s0 =	simm.s32 @!p2 $0x0  }
0x16: {  	s3 =	sld [smem:$0x3FDB];
	s0 =	simm.s32 @p2 $0x1  }
0x17: {  	s4 =	simm.s32 $0x1BF5;
	[smem:$0x3FB6] =	sst s0  }
0x18: {  	s0 =	sld [smem:$0x3F99];
	_ =	swait.ge [sflag:s4], $0x0  }
0x19: {  	s7 =	sld [smem:$0x3F9A]  }
0x1a: {  	s8 =	sadd.s32 $0xFFFFE003, lr  }
0x1b: {  	s9 =	sadd.s32 $0xFFFFFEF7, lr;
	s5 =	simm.s32 $0xFFFFFFFF;
	p2 =	slt.u32 s8, $0xFFFFF086  }
0x1c: {  	p1 =	slt.u32 s9, $0xF7A;
	s5 =	simm.s32 @!p2 $0x0  }
0x1d: {  	s5 =	simm.s32 @p1 $0x1;
	p0 =	seq.s32 s7, s2  }
0x1e: {  	s7 =	smul.u32 @!p0 $0xF7A, s2;
	p2 =	seq.s32 @!p0 s5, $0x0  }
0x1f: {  	s9 =	smul.u32 $0xF7A, s1;
	s8 =	simm.s32 @!p0 $0x1BF5;
	p2 =	por !p2, p0  }
0x20: {  	[sflag:s8] =	ssyncset.s32 @!p0 $0xFFFFF086;
	s6 =	sadd.s32 @!p0 s3, s7;
	s7 =	simm.s32 @!p0 $0x108  }
0x21: {  	s3 =	sadd.s32 s3, s9;
	s6 =	sadd.s32 @!p0 $0x88, s6;
	s7 =	simm.s32 @p2 $0x1082  }
0x22: {  	[simem:s7], [sflag:s8] =	dma.local @!p0 [hbm:s6], $0xF7A  }
0x23: {  	s9 =	sor.u32 $0xD0000000, s2;
	s6 =	simm.s32 $0x108;
	_ =	swait.ge @!p0 [sflag:s8], $0x0  }
0x24: {  	s3 =	sadd.s32 $0x88, s3;
	s6 =	simm.s32 @!p1 $0x1082;
	[sflag:s4] =	ssyncset.s32 $0xFFFFF086  }
0x25: {  	[simem:s6], [sflag:s4] =	dma.local [hbm:s3], $0xF7A  }
0x26: {  	[smem:$0x3F9A] =	sst s1;
	(tag) =	ssettag s2;
	_ =	strace s9  }
0x27: {  	s1 =	sld [smem:$0x3FAA]  }
0x28: {  	s2 =	sld [smem:$0x3FAB]  }
0x29: {  	s4 =	sld [smem:$0x3FAD]  }
0x2a: {  	p0 =	seq.s32 s5, $0x0;
	s5 =	sld [smem:$0x3FAE]  }
0x2b: {  	s6 =	sld [smem:$0x3FAF]  }
0x2c: {  	s7 =	sld [smem:$0x3FB0]  }
0x2d: {  	s3 =	simm.s32 $0x108;
	s8 =	sld [smem:$0x3FB1]  }
0x2e: {  	s3 =	simm.s32 @!p0 $0x1082;
	s9 =	sld [smem:$0x3FB2]  }
0x2f: {  	lr =	sadd.s32 s0, s3;
	s0 =	sld [smem:$0x3FA9]  }
0x30: {  	s3 =	sld [smem:$0x3FAC]  }
0x31: {  	[smem:$0x3FB5] =	sst s10  }
0x32: {  	s10 =	sld [smem:$0x3FB3];
	_ =	sdelay $0x3  }
0x33: {  	p0 =	seq.s32 s10, $0x1;
	s10 =	sld [smem:$0x3FB5];
	_ =	sdelay $0x3  }
0x34: {  	[smem:$0x3FB5] =	sst s10  }
0x35: {  	s10 =	sld [smem:$0x3FB4];
	_ =	sdelay $0x3  }
0x36: {  	p1 =	seq.s32 s10, $0x1;
	s10 =	sld [smem:$0x3FB5];
	_ =	sdelay $0x3  }
0x37: {  	[smem:$0x3FB5] =	sst s10  }
0x38: {  	s10 =	sld [smem:$0x3FB6]  }
0x39: {  	_ = 	snop;
	(pc) =	sbr.ind lr, $3  }
0x3a: {  	_ = 	snop  }
0x3b: {  	_ = 	snop  }
0x3c: {  	p2 =	seq.s32 s10, $0x1;
	s10 =	sld [smem:$0x3FB5]  }
0x3d: {  	_ =	shalt  }
0x3e: {  	_ =	shalt  }
0x3f: {  	_ =	shalt  }
0x40: {  	_ =	shalt  }
0x41: {  	_ =	shalt  }
0x42: {  	_ =	shalt  }
0x43: {  	_ =	shalt  }
0x44: {  	_ =	shalt  }
0x45: {  	_ =	shalt  }
0x46: {  	_ =	shalt  }
0x47: {  	_ =	shalt  }
0x48: {  	_ =	shalt  }
0x49: {  	_ =	shalt  }
0x4a: {  	_ =	shalt  }
0x4b: {  	_ =	shalt  }
0x4c: {  	_ =	shalt  }
0x4d: {  	_ =	shalt  }
0x4e: {  	_ =	shalt  }
0x4f: {  	_ =	shalt  }
0x50: {  	_ =	shalt  }
0x51: {  	_ =	shalt  }
0x52: {  	_ =	shalt  }
0x53: {  	_ =	shalt  }
0x54: {  	_ =	shalt  }
0x55: {  	_ =	shalt  }
0x56: {  	_ =	shalt  }
0x57: {  	_ =	shalt  }
0x58: {  	_ =	shalt  }
0x59: {  	_ =	shalt  }
0x5a: {  	_ =	shalt  }
0x5b: {  	_ =	shalt  }
0x5c: {  	_ =	shalt  }
0x5d: {  	_ =	shalt  }
0x5e: {  	_ =	shalt  }
0x5f: {  	_ =	shalt  }
0x60: {  	_ =	shalt  }
0x61: {  	_ =	shalt  }
0x62: {  	_ =	shalt  }
0x63: {  	_ =	shalt  }
0x64: {  	_ =	shalt  }
0x65: {  	_ =	shalt  }
0x66: {  	_ =	shalt  }
0x67: {  	_ =	shalt  }
0x68: {  	_ =	shalt  }
0x69: {  	_ =	shalt  }
0x6a: {  	_ =	shalt  }
0x6b: {  	_ =	shalt  }
0x6c: {  	_ =	shalt  }
0x6d: {  	_ =	shalt  }
0x6e: {  	_ =	shalt  }
0x6f: {  	_ =	shalt  }
0x70: {  	_ =	shalt  }
0x71: {  	_ =	shalt  }
0x72: {  	_ =	shalt  }
0x73: {  	_ =	shalt  }
0x74: {  	_ =	shalt  }
0x75: {  	_ =	shalt  }
0x76: {  	_ =	shalt  }
0x77: {  	_ =	shalt  }
0x78: {  	_ =	shalt  }
0x79: {  	_ =	shalt  }
0x7a: {  	_ =	shalt  }
0x7b: {  	_ =	shalt  }
0x7c: {  	_ =	shalt  }
0x7d: {  	_ =	shalt  }
0x7e: {  	_ =	shalt  }
0x7f: {  	_ =	shalt  }
0x80: {  	_ =	shalt  }
0x81: {  	_ =	shalt  }
0x82: {  	_ =	shalt  }
0x83: {  	_ =	shalt  }
0x84: {  	_ =	shalt  }
0x85: {  	_ =	shalt  }
0x86: {  	_ =	shalt  }
0x87: {  	_ =	shalt  }
.Lfunc_end0:
.L_simem_size_0:
called_computation_lowered:
.L_overlay_start_0:
0x88: {  	s2 =	sld [smem:$0x3FD9]  }
0x89: {  	s3 =	sld [smem:$0x3FFE];
	_ =	sdelay $0x1  }
0x8a: {  	s1 =	srdreg.scid  }
0x8b: {  	s0 =	sand.u32 $0x1, s1  }
0x8c: {  	s17 =	sshll.u32 s0, $0xA;
	s2 =	sadd.s32 s3, s2  }
0x8d: {  	s2 =	sadd.s32 s2, s17  }
0x8e: {  	[smem:$0x3FC1] =	sst s2  }
0x8f: {  	_ = 	snop  }
0x90: {  	s2 =	sld [smem:$0x3FC9]  }
0x91: {  	s18 =	sld [smem:$0x3FC8]  }
0x92: {  	s4 =	sld [smem:$0x3FC7]  }
0x93: {  	s5 =	sld [smem:$0x3FC6];
	(tm) =	ssettm $0x1  }
0x94: {  	s6 =	sld [smem:$0x3FFB];
	_ =	sdelay $0x3  }
0x95: {  	_ =	strace s6  }
0x96: {  	s6 =	sld [smem:$0x3FFC];
	_ =	sdelay $0x3  }
0x97: {  	_ =	strace s6  }
0x98: {  	s6 =	sld [smem:$0x3FFD];
	_ =	sdelay $0x3  }
0x99: {  	_ =	strace s6  }
0x9a: {  	_ =	strace $0x8FFFFFFF  }
0x9b: {  	s19 =	sld [smem:$0x3FDB];
	_ =	sdelay $0x1  }
0x9c: {  	s7 =	simm.s32 $_scs_section_size  }
0x9d: {  	s8 =	simm.s32 $_size__tile_overlayer_lowered;
	s9 =	simm.s32 $_tile_overlayer_lowered  }
0x9e: {  	s22 =	simm.s32 $0x1BFF;
	s21 =	sshll.u32 s9, $0x1;
	s6 =	sadd.s32 s7, s19  }
0x9f: {  	s10 =	simm.s32 $0x0;
	s20 =	sshll.u32 s8, $0x1;
	s8 =	sadd.s32 s21, s6  }
0xa0: {  	[timem:s10], [sflag:s22] =	dma.local [hbm:s8], s20  }
0xa1: {  	_ =	swait.ge [sflag:s22], s20  }
0xa2: {  	s7 =	ssub.s32 $0x0, s20;
	[sflag:s22] =	ssyncset.done $0x0  }
0xa3: {  	[sflag:s22] =	ssyncadd.s32 s7;
	_ =	sdelay $0x1  }
0xa4: {  	s23 =	simm.s32 $0x1B8B  }
0xa5: {  	_ =	swait.ge [sflag:s23], $0x1  }
0xa6: {  	[sflag:s23] =	ssyncset.done $0x0  }
0xa7: {  	s25 =	simm.s32 $0x1B8E;
	s24 =	sld [smem:$0x3FFE];
	[sflag:s23] =	ssyncadd.s32 $0xFFFFFFFF  }
0xa8: {  	s26 =	simm.s32 $execute0_lowered;
	[smem:$0x3FD2] =	sst s25  }
0xa9: {  	s8 =	sshll.u32 s26, $0x1;
	_ =	strace $0x80000046;
	[dreg:$0x1] =	wrdreg $0xFFFFFFFF  }
0xaa: {  	s28 =	simm.s32 $_size_execute0_lowered;
	s6 =	sadd.s32 s6, s8;
	[dreg:$0x0] =	wrdreg $0x0  }
0xab: {  	s8 =	sshll.u32 s28, $0x1;
	[dreg:$0x2] =	wrdreg s6  }
0xac: {  	[dreg:$0x3] =	wrdreg s8  }
0xad: {  	[dreg:$0x4] =	wrdreg $0xC0  }
0xae: {  	_ =	task [dreg:s10], $0x5FFFF  }
0xaf: {  	[dreg:$0x1] =	wrdreg $0xFFFFFFFF  }
0xb0: {  	[dreg:$0x0] =	wrdreg $0x60  }
0xb1: {  	[dreg:$0x2] =	wrdreg s4  }
0xb2: {  	[dreg:$0x3] =	wrdreg s5  }
0xb3: {  	[dreg:$0x4] =	wrdreg s2  }
0xb4: {  	[dreg:$0x5] =	wrdreg s18  }
0xb5: {  	[dreg:$0x6] =	wrdreg s24  }
0xb6: {  	[dreg:$0x7] =	wrdreg $0x9  }
0xb7: {  	_ =	task.clear_ibuf [dreg:s10], $0x8FFFF;
	_ =	strace $0x90000046  }
0xb8: {  	s29 =	simm.s32 $0x9;
	_ =	strace $0x80000048  }
0xb9: {  	_ =	swait.ge [sflag:s29], $0x1  }
0xba: {  	[sflag:s29] =	ssyncadd.s32 $0xFFFFFFFF  }
0xbb: {  	_ =	strace $0x90000048  }
0xbc: {  	_ =	sfence  }
0xbd: {  	s30 =	sld [smem:$0x0];
	_ =	sdelay $0x2  }
0xbe: {  	s31 =	sshll.u32 s1, $0xD;
	s1 =	sshrl.u32 s1, $0x2  }
0xbf: {  	s3 =	sand.u32 $0x4000, s31;
	s1 =	sadd.s32 s1, s30  }
0xc0: {  	s0 =	sor.u32 s3, s0;
	s1 =	sshll.u32 s1, $0x11  }
0xc1: {  	s0 =	sor.u32 s1, s0  }
0xc2: {  	s0 =	sadd.s32 $0x8F2B, s0  }
0xc3: {  	[sflag:s0] =	ssyncadd.remote.s32 $0x1  }
0xc4: {  	_ =	sfence.sel $0xFFFF  }
0xc5: {  	[dreg:$0x0] =	wrdreg $0xFFFFFFFF;
	(pc) =	sbr.abs _section_cstart, $3  }
0xc6: {  	[dreg:$0x1] =	wrdreg $0xFFFFFFFF  }
0xc7: {  	_ =	task.clear_ibuf [dreg:s10], $0x2FFFF;
	_ =	strace $0x9FFFFFFF  }
0xc8: {  	(tm) =	ssettm $0x7FFFFFFF  }
0xc9: {  	_ =	shalt  }
tec
execute0_lowered:
.L_overlay_start_1:
0x0: {  	(tag) =	ssettag $0x1  }
0x1: {  	s1 =	rddreg [dreg:$0x0]  }
0x2: {  	s2 =	rddreg [dreg:$0x1]  }
0x3: {  	s22 =	rddreg [dreg:$0x2]  }
0x4: {  	s3 =	srdreg.scid;
	s26 =	rddreg [dreg:$0x3]  }
0x5: {  	s0 =	stileid.u32;
	s16 =	rddreg [dreg:$0x4];
	s3 =	sand.u32 $0x1, s3  }
0x6: {  	s4 =	simm.s32 $0x0;
	s5 =	sshll.u32 s0, $0xA;
	s6 =	sshll.u32 s3, $0x9  }
0x7: {  	[smem:$0x7FF] =	sst s4;
	s23 =	sor.u32 s6, s5  }
0x8: {  	s29 =	sadd.s32 $0x1400, s16;
	[dreg:$0xc] =	wrdreg s3;
	s5 =	sshrl.u32 s23, $0x3  }
0x9: {  	_ =	strace $0x80000047;
	s6 =	sor.u32 $0x80, s23;
	s7 =	sadd.s32 s22, s5  }
0xa: {  	s17 =	sshll.u32 s23, $0x4;
	s5 =	sadd.s32 s26, s5;
	[dreg:$0x6] =	wrdreg s7  }
0xb: {  	s8 =	sshrl.u32 s6, $0x3;
	s21 =	sadd.s32 s29, s17;
	[dreg:$0x8] =	wrdreg s5  }
0xc: {  	s19 =	sadd.s32 s22, s8;
	[dreg:$0xa] =	wrdreg s21  }
0xd: {  	s20 =	sadd.s32 s26, s8;
	[dreg:$0x7] =	wrdreg s19  }
0xe: {  	s18 =	sshll.u32 s6, $0x4;
	[dreg:$0x9] =	wrdreg s20  }
0xf: {  	s25 =	sadd.s32 s29, s18;
	s24 =	rddreg [dreg:$0x6]  }
0x10: {  	s5 =	simm.s32 $0x9;
	[dreg:$0xb] =	wrdreg s25  }
0x11: {  	[tilespmem:s4], [sflag:$0x9] =	stream.linear.gather [hbm4b:s24+s4], $0x80, $0x38;
	[tilespmem:$0x10200] =	vst v63  }
0x12: {  	_ =	swait.ge [sflag:s5], $0x80  }
0x13: {  	[sflag:s5] =	ssyncset.done $0x0  }
0x14: {  	s6 =	simm.s32 $0x80;
	s7 =	simm.s32 $0x200;
	[sflag:s5] =	ssyncadd.s32 $0xFFFFFF80  }
0x15: {  	[tilespmem:s7], [sflag:$0x1] =	stream.indirect.gather [hbm4b:s1+s6], $0x80, s4, s6, $0xb8;
	[tilespmem:$0x10200] =	vst v63  }
0x16: {  	s0 =	rddreg [dreg:$0x7]  }
0x17: {  	[tilespmem:s6], [sflag:$0x9] =	stream.linear.gather [hbm4b:s0+s4], $0x80, $0x38;
	[tilespmem:$0x10200] =	vst v63  }
0x18: {  	_ =	swait.ge [sflag:s5], $0x80  }
0x19: {  	[sflag:s5] =	ssyncset.done $0x0  }
0x1a: {  	s8 =	simm.s32 $0x4200;
	[sflag:s5] =	ssyncadd.s32 $0xFFFFFF80  }
0x1b: {  	[tilespmem:s8], [sflag:$0x2] =	stream.indirect.gather [hbm4b:s1+s6], $0x80, s6, s6, $0xb8;
	[tilespmem:$0x10200] =	vst v63  }
0x1c: {  	s9 =	simm.s32 $0x100;
	s10 =	rddreg [dreg:$0x8]  }
0x1d: {  	[tilespmem:s9], [sflag:$0x9] =	stream.linear.gather [hbm4b:s10+s4], $0x80, $0x38;
	[tilespmem:$0x10200] =	vst v63  }
0x1e: {  	_ =	swait.ge [sflag:s5], $0x80  }
0x1f: {  	[sflag:s5] =	ssyncset.done $0x0  }
0x20: {  	s10 =	simm.s32 $0x8200;
	[sflag:s5] =	ssyncadd.s32 $0xFFFFFF80  }
0x21: {  	[tilespmem:s10], [sflag:$0x3] =	stream.indirect.gather [hbm4b:s2+s6], $0x80, s9, s6, $0xb8;
	[tilespmem:$0x10200] =	vst v63  }
0x22: {  	s11 =	simm.s32 $0x180;
	s12 =	rddreg [dreg:$0x9]  }
0x23: {  	[tilespmem:s11], [sflag:$0x9] =	stream.linear.gather [hbm4b:s12+s4], $0x80, $0x38;
	[tilespmem:$0x10200] =	vst v63  }
0x24: {  	_ =	swait.ge [sflag:s5], $0x80  }
0x25: {  	[sflag:s5] =	ssyncset.done $0x0  }
0x26: {  	s13 =	simm.s32 $0x1;
	s12 =	simm.s32 $0xC200;
	[sflag:s5] =	ssyncadd.s32 $0xFFFFFF80  }
0x27: {  	[tilespmem:s12], [sflag:$0x4] =	stream.indirect.gather [hbm4b:s2+s6], $0x80, s11, s6, $0xb8;
	[tilespmem:$0x10200] =	vst v63  }
0x28: {  	_ =	swait.ge [sflag:s13], $0x4000  }
0x29: {  	[sflag:s13] =	ssyncset.done $0x0  }
0x2a: {  	s14 =	simm.s32 $0x2;
	s15 =	rddreg [dreg:$0xa];
	[sflag:s13] =	ssyncadd.s32 $0xFFFFC000  }
0x2b: {  	[hbm4b:s15+s4] =	stream.linear.scatter [tilespmem:s7], [sflag:$0x5], $0x4000, $0x38;
	[tilespmem:$0x10200] =	vst v63  }
0x2c: {  	_ =	swait.ge [sflag:s14], $0x4000  }
0x2d: {  	[sflag:s14] =	ssyncset.done $0x0  }
0x2e: {  	s15 =	simm.s32 $0x3;
	s19 =	rddreg [dreg:$0xb];
	[sflag:s14] =	ssyncadd.s32 $0xFFFFC000  }
0x2f: {  	[hbm4b:s19+s4] =	stream.linear.scatter [tilespmem:s8], [sflag:$0x6], $0x4000, $0x38;
	[tilespmem:$0x10200] =	vst v63  }
0x30: {  	_ =	swait.ge [sflag:s15], $0x4000  }
0x31: {  	s31 =	sadd.s32 $0x41400, s16;
	[sflag:s15] =	ssyncset.done $0x0  }
0x32: {  	s16 =	sadd.s32 s31, s17;
	s17 =	simm.s32 $0x4;
	[sflag:s15] =	ssyncadd.s32 $0xFFFFC000  }
0x33: {  	[hbm4b:s16+s4] =	stream.linear.scatter [tilespmem:s10], [sflag:$0x7], $0x4000, $0x38;
	[tilespmem:$0x10200] =	vst v63  }
0x34: {  	_ =	swait.ge [sflag:s17], $0x4000  }
0x35: {  	[sflag:s17] =	ssyncset.done $0x0  }
0x36: {  	s18 =	sadd.s32 s31, s18;
	s19 =	simm.s32 $0x5;
	[sflag:s17] =	ssyncadd.s32 $0xFFFFC000  }
0x37: {  	[hbm4b:s18+s4] =	stream.linear.scatter [tilespmem:s12], [sflag:$0x8], $0x4000, $0x38;
	[tilespmem:$0x10200] =	vst v63  }
0x38: {  	s28 =	sor.u32 $0x100, s23;
	_ =	swait.ge [sflag:s19], $0x4000  }
0x39: {  	s24 =	sshrl.u32 s28, $0x3;
	[sflag:s19] =	ssyncset.done $0x0  }
0x3a: {  	s20 =	sadd.s32 s22, s24;
	[sflag:s19] =	ssyncadd.s32 $0xFFFFC000  }
0x3b: {  	[tilespmem:s4], [sflag:$0x9] =	stream.linear.gather [hbm4b:s20+s4], $0x80, $0x38;
	[tilespmem:$0x10200] =	vst v63  }
0x3c: {  	_ =	swait.ge [sflag:s5], $0x80  }
0x3d: {  	[sflag:s5] =	ssyncset.done $0x0  }
0x3e: {  	s21 =	simm.s32 $0x6;
	[sflag:s5] =	ssyncadd.s32 $0xFFFFFF80  }
0x3f: {  	[tilespmem:s7], [sflag:$0x1] =	stream.indirect.gather [hbm4b:s1+s6], $0x80, s4, s6, $0xb8;
	[tilespmem:$0x10200] =	vst v63  }
0x40: {  	s30 =	sor.u32 $0x180, s23;
	_ =	swait.ge [sflag:s21], $0x4000  }
0x41: {  	s3 =	sshrl.u32 s30, $0x3;
	[sflag:s21] =	ssyncset.done $0x0  }
0x42: {  	s22 =	sadd.s32 s22, s3;
	[sflag:s21] =	ssyncadd.s32 $0xFFFFC000  }
0x43: {  	[tilespmem:s6], [sflag:$0x9] =	stream.linear.gather [hbm4b:s22+s4], $0x80, $0x38;
	[tilespmem:$0x10200] =	vst v63  }
0x44: {  	_ =	swait.ge [sflag:s5], $0x80  }
0x45: {  	[sflag:s5] =	ssyncset.done $0x0  }
0x46: {  	s23 =	simm.s32 $0x7;
	[sflag:s5] =	ssyncadd.s32 $0xFFFFFF80  }
0x47: {  	[tilespmem:s8], [sflag:$0x2] =	stream.indirect.gather [hbm4b:s1+s6], $0x80, s6, s6, $0xb8;
	[tilespmem:$0x10200] =	vst v63  }
0x48: {  	_ =	swait.ge [sflag:s23], $0x4000  }
0x49: {  	[sflag:s23] =	ssyncset.done $0x0  }
0x4a: {  	s24 =	sadd.s32 s26, s24;
	[sflag:s23] =	ssyncadd.s32 $0xFFFFC000  }
0x4b: {  	[tilespmem:s9], [sflag:$0x9] =	stream.linear.gather [hbm4b:s24+s4], $0x80, $0x38;
	[tilespmem:$0x10200] =	vst v63  }
0x4c: {  	_ =	swait.ge [sflag:s5], $0x80  }
0x4d: {  	[sflag:s5] =	ssyncset.done $0x0  }
0x4e: {  	s25 =	simm.s32 $0x8;
	[sflag:s5] =	ssyncadd.s32 $0xFFFFFF80  }
0x4f: {  	[tilespmem:s10], [sflag:$0x3] =	stream.indirect.gather [hbm4b:s2+s6], $0x80, s9, s6, $0xb8;
	[tilespmem:$0x10200] =	vst v63  }
0x50: {  	_ =	swait.ge [sflag:s25], $0x4000  }
0x51: {  	[sflag:s25] =	ssyncset.done $0x0  }
0x52: {  	s26 =	sadd.s32 s26, s3;
	[sflag:s25] =	ssyncadd.s32 $0xFFFFC000  }
0x53: {  	[tilespmem:s11], [sflag:$0x9] =	stream.linear.gather [hbm4b:s26+s4], $0x80, $0x38;
	[tilespmem:$0x10200] =	vst v63  }
0x54: {  	_ =	swait.ge [sflag:s5], $0x80  }
0x55: {  	[sflag:s5] =	ssyncset.done $0x0  }
0x56: {  	[sflag:s5] =	ssyncadd.s32 $0xFFFFFF80  }
0x57: {  	[tilespmem:s12], [sflag:$0x4] =	stream.indirect.gather [hbm4b:s2+s6], $0x80, s11, s6, $0xb8;
	[tilespmem:$0x10200] =	vst v63  }
0x58: {  	_ =	swait.ge [sflag:s13], $0x4000  }
0x59: {  	s3 =	sshll.u32 s28, $0x4;
	[sflag:s13] =	ssyncset.done $0x0  }
0x5a: {  	s28 =	sadd.s32 s29, s3;
	[sflag:s13] =	ssyncadd.s32 $0xFFFFC000  }
0x5b: {  	[hbm4b:s28+s4] =	stream.linear.scatter [tilespmem:s7], [sflag:$0x5], $0x4000, $0x38;
	[tilespmem:$0x10200] =	vst v63  }
0x5c: {  	_ =	swait.ge [sflag:s14], $0x4000  }
0x5d: {  	s0 =	sshll.u32 s30, $0x4;
	[sflag:s14] =	ssyncset.done $0x0  }
0x5e: {  	s29 =	sadd.s32 s29, s0;
	[sflag:s14] =	ssyncadd.s32 $0xFFFFC000  }
0x5f: {  	[hbm4b:s29+s4] =	stream.linear.scatter [tilespmem:s8], [sflag:$0x6], $0x4000, $0x38;
	[tilespmem:$0x10200] =	vst v63  }
0x60: {  	_ =	swait.ge [sflag:s15], $0x4000  }
0x61: {  	[sflag:s15] =	ssyncset.done $0x0  }
0x62: {  	s30 =	sadd.s32 s31, s3;
	[sflag:s15] =	ssyncadd.s32 $0xFFFFC000  }
0x63: {  	[hbm4b:s30+s4] =	stream.linear.scatter [tilespmem:s10], [sflag:$0x7], $0x4000, $0x38;
	[tilespmem:$0x10200] =	vst v63  }
0x64: {  	_ =	swait.ge [sflag:s17], $0x4000  }
0x65: {  	[sflag:s17] =	ssyncset.done $0x0  }
0x66: {  	s31 =	sadd.s32 s31, s0;
	[sflag:s17] =	ssyncadd.s32 $0xFFFFC000  }
0x67: {  	[hbm4b:s31+s4] =	stream.linear.scatter [tilespmem:s12], [sflag:$0x8], $0x4000, $0x38;
	[tilespmem:$0x10200] =	vst v63  }
0x68: {  	_ =	swait.ge [sflag:s19], $0x4000  }
0x69: {  	[sflag:s19] =	ssyncset.done $0x0  }
0x6a: {  	[sflag:s19] =	ssyncadd.s32 $0xFFFFC000  }
0x6b: {  	_ =	swait.ge [sflag:s21], $0x4000  }
0x6c: {  	s3 =	rddreg [dreg:$0xc]  }
0x6d: {  	s0 =	ssub.s32 $0x2, s3  }
0x6e: {  	s3 =	sshrl.u32 s0, $0x1  }
0x6f: {  	s0 =	ssub.s32 s0, s3  }
0x70: {  	s0 =	smax.u32 s0, $0x1  }
0x71: {  	[sflag:s21] =	ssyncset.done $0x0;
	p0 =	sne.s32 s0, $0x1  }
.Ltmp0:
0x72: {  	[sflag:s21] =	ssyncadd.s32 $0xFFFFC000;
	(pc) =	sbr.rel @!p0 .LBB2_2-.Ltmp0, $4  }
0x73: {  	_ =	swait.ge [sflag:s23], $0x4000  }
0x74: {  	[sflag:s23] =	ssyncset.done $0x0  }
0x75: {  	[sflag:s23] =	ssyncadd.s32 $0xFFFFC000  }
0x76: {  	s3 =	sadd.s32 $0xFFFFFFFF, s0;
	_ =	swait.ge [sflag:s25], $0x4000  }
.LBB2_1:
0x77: {  	[sflag:s25] =	ssyncset.done $0x0  }
0x78: {  	s0 =	rddreg [dreg:$0x6];
	[sflag:s25] =	ssyncadd.s32 $0xFFFFC000  }
0x79: {  	[tilespmem:s4], [sflag:$0x9] =	stream.linear.gather [hbm4b:s0+s4], $0x80, $0x38;
	[tilespmem:$0x10200] =	vst v63  }
0x7a: {  	_ =	swait.ge [sflag:s5], $0x80  }
0x7b: {  	[sflag:s5] =	ssyncset.done $0x0  }
0x7c: {  	[sflag:s5] =	ssyncadd.s32 $0xFFFFFF80  }
0x7d: {  	[tilespmem:s7], [sflag:$0x1] =	stream.indirect.gather [hbm4b:s1+s6], $0x80, s4, s6, $0xb8;
	[tilespmem:$0x10200] =	vst v63  }
0x7e: {  	s0 =	rddreg [dreg:$0x7]  }
0x7f: {  	[tilespmem:s6], [sflag:$0x9] =	stream.linear.gather [hbm4b:s0+s4], $0x80, $0x38;
	[tilespmem:$0x10200] =	vst v63  }
0x80: {  	_ =	swait.ge [sflag:s5], $0x80  }
0x81: {  	[sflag:s5] =	ssyncset.done $0x0  }
0x82: {  	[sflag:s5] =	ssyncadd.s32 $0xFFFFFF80  }
0x83: {  	[tilespmem:s8], [sflag:$0x2] =	stream.indirect.gather [hbm4b:s1+s6], $0x80, s6, s6, $0xb8;
	[tilespmem:$0x10200] =	vst v63  }
0x84: {  	s0 =	rddreg [dreg:$0x8]  }
0x85: {  	[tilespmem:s9], [sflag:$0x9] =	stream.linear.gather [hbm4b:s0+s4], $0x80, $0x38;
	[tilespmem:$0x10200] =	vst v63  }
0x86: {  	_ =	swait.ge [sflag:s5], $0x80  }
0x87: {  	[sflag:s5] =	ssyncset.done $0x0  }
0x88: {  	[sflag:s5] =	ssyncadd.s32 $0xFFFFFF80  }
0x89: {  	[tilespmem:s10], [sflag:$0x3] =	stream.indirect.gather [hbm4b:s2+s6], $0x80, s9, s6, $0xb8;
	[tilespmem:$0x10200] =	vst v63  }
0x8a: {  	s0 =	rddreg [dreg:$0x9]  }
0x8b: {  	[tilespmem:s11], [sflag:$0x9] =	stream.linear.gather [hbm4b:s0+s4], $0x80, $0x38;
	[tilespmem:$0x10200] =	vst v63  }
0x8c: {  	_ =	swait.ge [sflag:s5], $0x80  }
0x8d: {  	[sflag:s5] =	ssyncset.done $0x0  }
0x8e: {  	[sflag:s5] =	ssyncadd.s32 $0xFFFFFF80  }
0x8f: {  	[tilespmem:s12], [sflag:$0x4] =	stream.indirect.gather [hbm4b:s2+s6], $0x80, s11, s6, $0xb8;
	[tilespmem:$0x10200] =	vst v63  }
0x90: {  	_ =	swait.ge [sflag:s13], $0x4000  }
0x91: {  	[sflag:s13] =	ssyncset.done $0x0  }
0x92: {  	s0 =	rddreg [dreg:$0xa];
	[sflag:s13] =	ssyncadd.s32 $0xFFFFC000  }
0x93: {  	[hbm4b:s0+s4] =	stream.linear.scatter [tilespmem:s7], [sflag:$0x5], $0x4000, $0x38;
	[tilespmem:$0x10200] =	vst v63  }
0x94: {  	_ =	swait.ge [sflag:s14], $0x4000  }
0x95: {  	[sflag:s14] =	ssyncset.done $0x0  }
0x96: {  	s0 =	rddreg [dreg:$0xb];
	[sflag:s14] =	ssyncadd.s32 $0xFFFFC000  }
0x97: {  	[hbm4b:s0+s4] =	stream.linear.scatter [tilespmem:s8], [sflag:$0x6], $0x4000, $0x38;
	[tilespmem:$0x10200] =	vst v63  }
0x98: {  	_ =	swait.ge [sflag:s15], $0x4000  }
0x99: {  	[sflag:s15] =	ssyncset.done $0x0  }
0x9a: {  	[sflag:s15] =	ssyncadd.s32 $0xFFFFC000  }
0x9b: {  	[hbm4b:s16+s4] =	stream.linear.scatter [tilespmem:s10], [sflag:$0x7], $0x4000, $0x38;
	[tilespmem:$0x10200] =	vst v63  }
0x9c: {  	_ =	swait.ge [sflag:s17], $0x4000  }
0x9d: {  	[sflag:s17] =	ssyncset.done $0x0  }
0x9e: {  	[sflag:s17] =	ssyncadd.s32 $0xFFFFC000  }
0x9f: {  	[hbm4b:s18+s4] =	stream.linear.scatter [tilespmem:s12], [sflag:$0x8], $0x4000, $0x38;
	[tilespmem:$0x10200] =	vst v63  }
0xa0: {  	_ =	swait.ge [sflag:s19], $0x4000  }
0xa1: {  	[sflag:s19] =	ssyncset.done $0x0  }
0xa2: {  	[sflag:s19] =	ssyncadd.s32 $0xFFFFC000  }
0xa3: {  	[tilespmem:s4], [sflag:$0x9] =	stream.linear.gather [hbm4b:s20+s4], $0x80, $0x38;
	[tilespmem:$0x10200] =	vst v63  }
0xa4: {  	_ =	swait.ge [sflag:s5], $0x80  }
0xa5: {  	[sflag:s5] =	ssyncset.done $0x0  }
0xa6: {  	[sflag:s5] =	ssyncadd.s32 $0xFFFFFF80  }
0xa7: {  	[tilespmem:s7], [sflag:$0x1] =	stream.indirect.gather [hbm4b:s1+s6], $0x80, s4, s6, $0xb8;
	[tilespmem:$0x10200] =	vst v63  }
0xa8: {  	_ =	swait.ge [sflag:s21], $0x4000  }
0xa9: {  	[sflag:s21] =	ssyncset.done $0x0  }
0xaa: {  	[sflag:s21] =	ssyncadd.s32 $0xFFFFC000  }
0xab: {  	[tilespmem:s6], [sflag:$0x9] =	stream.linear.gather [hbm4b:s22+s4], $0x80, $0x38;
	[tilespmem:$0x10200] =	vst v63  }
0xac: {  	_ =	swait.ge [sflag:s5], $0x80  }
0xad: {  	[sflag:s5] =	ssyncset.done $0x0  }
0xae: {  	[sflag:s5] =	ssyncadd.s32 $0xFFFFFF80  }
0xaf: {  	[tilespmem:s8], [sflag:$0x2] =	stream.indirect.gather [hbm4b:s1+s6], $0x80, s6, s6, $0xb8;
	[tilespmem:$0x10200] =	vst v63  }
0xb0: {  	_ =	swait.ge [sflag:s23], $0x4000  }
0xb1: {  	[sflag:s23] =	ssyncset.done $0x0  }
0xb2: {  	[sflag:s23] =	ssyncadd.s32 $0xFFFFC000  }
0xb3: {  	[tilespmem:s9], [sflag:$0x9] =	stream.linear.gather [hbm4b:s24+s4], $0x80, $0x38;
	[tilespmem:$0x10200] =	vst v63  }
0xb4: {  	_ =	swait.ge [sflag:s5], $0x80  }
0xb5: {  	[sflag:s5] =	ssyncset.done $0x0  }
0xb6: {  	[sflag:s5] =	ssyncadd.s32 $0xFFFFFF80  }
0xb7: {  	[tilespmem:s10], [sflag:$0x3] =	stream.indirect.gather [hbm4b:s2+s6], $0x80, s9, s6, $0xb8;
	[tilespmem:$0x10200] =	vst v63  }
0xb8: {  	_ =	swait.ge [sflag:s25], $0x4000  }
0xb9: {  	[sflag:s25] =	ssyncset.done $0x0  }
0xba: {  	[sflag:s25] =	ssyncadd.s32 $0xFFFFC000  }
0xbb: {  	[tilespmem:s11], [sflag:$0x9] =	stream.linear.gather [hbm4b:s26+s4], $0x80, $0x38;
	[tilespmem:$0x10200] =	vst v63  }
0xbc: {  	_ =	swait.ge [sflag:s5], $0x80  }
0xbd: {  	[sflag:s5] =	ssyncset.done $0x0  }
0xbe: {  	[sflag:s5] =	ssyncadd.s32 $0xFFFFFF80  }
0xbf: {  	[tilespmem:s12], [sflag:$0x4] =	stream.indirect.gather [hbm4b:s2+s6], $0x80, s11, s6, $0xb8;
	[tilespmem:$0x10200] =	vst v63  }
0xc0: {  	_ =	swait.ge [sflag:s13], $0x4000  }
0xc1: {  	[sflag:s13] =	ssyncset.done $0x0  }
0xc2: {  	[sflag:s13] =	ssyncadd.s32 $0xFFFFC000  }
0xc3: {  	[hbm4b:s28+s4] =	stream.linear.scatter [tilespmem:s7], [sflag:$0x5], $0x4000, $0x38;
	[tilespmem:$0x10200] =	vst v63  }
0xc4: {  	_ =	swait.ge [sflag:s14], $0x4000  }
0xc5: {  	[sflag:s14] =	ssyncset.done $0x0  }
0xc6: {  	[sflag:s14] =	ssyncadd.s32 $0xFFFFC000  }
0xc7: {  	[hbm4b:s29+s4] =	stream.linear.scatter [tilespmem:s8], [sflag:$0x6], $0x4000, $0x38;
	[tilespmem:$0x10200] =	vst v63  }
0xc8: {  	_ =	swait.ge [sflag:s15], $0x4000  }
0xc9: {  	[sflag:s15] =	ssyncset.done $0x0  }
0xca: {  	[sflag:s15] =	ssyncadd.s32 $0xFFFFC000  }
0xcb: {  	[hbm4b:s30+s4] =	stream.linear.scatter [tilespmem:s10], [sflag:$0x7], $0x4000, $0x38;
	[tilespmem:$0x10200] =	vst v63  }
0xcc: {  	_ =	swait.ge [sflag:s17], $0x4000  }
0xcd: {  	[sflag:s17] =	ssyncset.done $0x0  }
0xce: {  	[sflag:s17] =	ssyncadd.s32 $0xFFFFC000  }
0xcf: {  	[hbm4b:s31+s4] =	stream.linear.scatter [tilespmem:s12], [sflag:$0x8], $0x4000, $0x38;
	[tilespmem:$0x10200] =	vst v63  }
0xd0: {  	_ =	swait.ge [sflag:s19], $0x4000  }
0xd1: {  	[sflag:s19] =	ssyncset.done $0x0  }
0xd2: {  	[sflag:s19] =	ssyncadd.s32 $0xFFFFC000  }
0xd3: {  	_ =	swait.ge [sflag:s21], $0x4000  }
0xd4: {  	p0 =	sne.s32 s3, $0x1;
	[sflag:s21] =	ssyncset.done $0x0  }
.Ltmp1:
0xd5: {  	[sflag:s21] =	ssyncadd.s32 $0xFFFFC000;
	(pc) =	sbr.rel @p0 .LBB2_1-.Ltmp1, $4  }
0xd6: {  	_ =	swait.ge [sflag:s23], $0x4000  }
0xd7: {  	[sflag:s23] =	ssyncset.done $0x0  }
0xd8: {  	[sflag:s23] =	ssyncadd.s32 $0xFFFFC000  }
0xd9: {  	s3 =	sadd.s32 $0xFFFFFFFF, s3;
	_ =	swait.ge [sflag:s25], $0x4000  }
.LBB2_2:
0xda: {  	[sflag:s25] =	ssyncset.done $0x0  }
0xdb: {  	[sflag:s25] =	ssyncadd.s32 $0xFFFFC000  }
0xdc: {  	_ =	sfence.sel $0x180000  }
0xdd: {  	[bflag:$0x0] =	sbarrier.arrive $0xFFFF  }
0xde: {  	_ =	strace $0x90000047  }
0xdf: {  	s0 =	stileid.u32;
	[bflag:$0x2] =	sbarrier.arrive $0xFFFF  }
0xe0: {  	p0 =	sne.s32 s0, $0x0;
	s0 =	rddreg [dreg:$0x5]  }
0xe1: {  	s0 =	sadd.s32 @!p0 $0x100000, s0  }
0xe2: {  	[sflag:s0] =	ssyncadd.tile.s32 @!p0 $0x1;
	_ =	shalt  }
.Lfunc_end2:
_tile_overlayer_lowered:
.L_overlay_start_2:
0xe3: {  	(tag) =	ssettag $0x2  }
0xe4: {  	s0 =	rddreg [dreg:$0x0];
	s2 =	stileid.u32  }
0xe5: {  	s1 =	rddreg [dreg:$0x1];
	p0 =	sne.s32 s2, $0x0  }
0xe6: {  	s3 =	rddreg [dreg:$0x2];
	[bflag:$0x3] =	sbarrier.arrive $0xFFFF;
	s2 =	simm.s32 @!p0 $0x1C09  }
0xe7: {  	[timem:s3], [sflag:s2] =	dma.local @!p0 [hbm:s0], s1  }
0xe8: {  	s0 =	simm.s32 @!p0 $0x9  }
0xe9: {  	_ =	swait.ge @!p0 [sflag:s0], s1  }
0xea: {  	s1 =	ssub.s32 @!p0 $0x0, s1;
	[sflag:s0] =	ssyncset.done @!p0 $0x0  }
0xeb: {  	[sflag:s0] =	ssyncadd.s32 @!p0 s1  }
0xec: {  	[bflag:$0x3] =	sbarrier.arrive $0xFFFF  }
0xed: {  	_ =	shalt  }

</sc_bundles>
